<compile_context>
chip_gen: v7x
topology: tpu7x:2x2x1
jax: 0.10.2.dev20260603
libtpu: 0.0.44.dev20260713+nightly
codegen_flags: <defaults>
</compile_context>

<pallas_src>
import functools

import jax
import jax.numpy as jnp
from jax import lax
from jax.experimental import pallas as pl
from jax.experimental.pallas import tpu as pltpu
from jax.experimental.pallas import tpu_sc as plsc

N = 10000
D = 128
E = 320000
NP = 10240
E2 = 2 * E
NTILES = 32
ROWS_PT = NP // NTILES
EDGES_PT = E2 // NTILES
SBLK = 1000
RBLK = 256
INT_MIN = -(2 ** 31)

_NC = 2
_NS = 16


def _score_body(x_ref, w_ref, b_ref, norm_ref, s_ref, k_ref, g_ref):
    xb = x_ref[...]
    w = w_ref[...]
    w_rep = jnp.broadcast_to(w, (D, D))
    raw_full = lax.dot_general(xb, w_rep, (((1,), (1,)), ((), ())),
                               preferred_element_type=jnp.float32)
    raw = raw_full[:, 0:1]
    s = (raw + b_ref[0, 0]) / norm_ref[0, 0]
    s_ref[...] = s
    bits = lax.bitcast_convert_type(s, jnp.int32)
    k_ref[...] = jnp.where(bits >= 0, bits, jnp.int32(INT_MIN) - bits)
    g_ref[...] = xb * jnp.tanh(s)


def _rank_body(kcol_ref, krow_ref, out_ref):
    p = pl.program_id(0)
    i0 = p * RBLK
    nch = NP // 128
    unroll = 8
    ki = kcol_ref[pl.ds(i0, RBLK), :]

    def ge_body(jc, acc):
        kj = krow_ref[pl.ds(jc, 1), :]
        return acc + (kj >= ki).astype(jnp.int32)

    def gt_body(jc, acc):
        kj = krow_ref[pl.ds(jc, 1), :]
        return acc + (kj > ki).astype(jnp.int32)

    def ge_blk(bb, acc):
        for u in range(unroll):
            acc = ge_body(bb * unroll + u, acc)
        return acc

    def gt_blk(bb, acc):
        for u in range(unroll):
            acc = gt_body(c0 + ndiag + bb * unroll + u, acc)
        return acc

    ndiag = RBLK // 128
    c0 = p * ndiag
    acc = jnp.zeros((RBLK, 128), jnp.int32)
    nb = c0 // unroll
    acc = lax.fori_loop(0, nb, ge_blk, acc)
    acc = lax.fori_loop(nb * unroll, c0, ge_body, acc)
    na = (nch - (c0 + ndiag)) // unroll
    acc = lax.fori_loop(0, na, gt_blk, acc)
    acc = lax.fori_loop(c0 + ndiag + na * unroll, nch, gt_body, acc)
    jv = lax.broadcasted_iota(jnp.int32, (RBLK, 128), 1)
    iv = lax.broadcasted_iota(jnp.int32, (RBLK, 128), 0)
    for dd in range(ndiag):
        kj = krow_ref[pl.ds(c0 + dd, 1), :]
        acc = acc + ((kj > ki) |
                     ((kj == ki) & (jv + dd * 128 < iv))).astype(jnp.int32)
    out_ref[...] = jnp.sum(acc, axis=1, keepdims=True)


def _sc_body(ranks2d, ranksf, gsrc, edges,
             gated, perm, newe,
             rank_v, rows_v, vals_v, table_v, eidx_v, eres_v, sem, sem2, sem3):
    wid = lax.axis_index("s") * _NC + lax.axis_index("c")
    base = wid * ROWS_PT
    ebase = wid * EDGES_PT

    stg = [
        pltpu.async_copy(edges.at[pl.ds(ebase, EDGES_PT)], eidx_v, sem3),
        pltpu.async_copy(ranksf, table_v, sem3),
        pltpu.async_copy(ranks2d.at[wid], rank_v, sem3),
        pltpu.async_copy(gsrc.at[pl.ds(base, ROWS_PT)], rows_v, sem3),
    ]
    for cp in stg:
        cp.wait()

    for c in range(5):
        for t in range(4):
            off = c * 64 + t * 16
            vals_v[c, pl.ds(t * 16, 16)] = (base + off) + lax.iota(jnp.int32, 16)

    copies = []
    for c in range(5):
        copies.append(pltpu.async_copy(
            rows_v.at[pl.ds(c * 64, 64)], gated.at[rank_v.at[c]], sem))
        copies.append(pltpu.async_copy(
            vals_v.at[c], perm.at[rank_v.at[c]], sem2))

    @plsc.parallel_loop(0, EDGES_PT, step=16, unroll=20)
    def _edge_gather(off):
        e = eidx_v[pl.ds(off, 16)]
        r = plsc.load_gather(table_v, [e])
        eres_v[pl.ds(off, 16)] = r

    pltpu.sync_copy(eres_v, newe.at[pl.ds(ebase, EDGES_PT)])
    for cp in copies:
        cp.wait()


def kernel(x, edge_index, epoch, W, b):
    norm = jnp.linalg.norm(W)

    scores2d, keys2d, gsrc = pl.pallas_call(
        _score_body,
        grid=(N // SBLK,),
        in_specs=[
            pl.BlockSpec((SBLK, D), lambda p: (p, 0)),
            pl.BlockSpec((1, D), lambda p: (0, 0)),
            pl.BlockSpec((1, 1), lambda p: (0, 0)),
            pl.BlockSpec((1, 1), lambda p: (0, 0)),
        ],
        out_specs=[
            pl.BlockSpec((SBLK, 1), lambda p: (p, 0)),
            pl.BlockSpec((SBLK, 1), lambda p: (p, 0)),
            pl.BlockSpec((SBLK, D), lambda p: (p, 0)),
        ],
        out_shape=[
            jax.ShapeDtypeStruct((N, 1), jnp.float32),
            jax.ShapeDtypeStruct((N, 1), jnp.int32),
            jax.ShapeDtypeStruct((N, D), jnp.float32),
        ],
    )(x, W, b.reshape(1, 1), norm.reshape(1, 1))

    scores = scores2d.reshape(N)
    keys = jnp.concatenate(
        [keys2d.reshape(N), jnp.full((NP - N,), INT_MIN, jnp.int32)])
    kcol = keys.reshape(NP, 1)
    krow = keys.reshape(NP // 128, 128)

    ranks2d = pl.pallas_call(
        _rank_body,
        grid=(NP // RBLK,),
        in_specs=[
            pl.BlockSpec((NP, 1), lambda p: (0, 0)),
            pl.BlockSpec((NP // 128, 128), lambda p: (0, 0)),
        ],
        out_specs=pl.BlockSpec((RBLK, 1), lambda p: (p, 0)),
        out_shape=jax.ShapeDtypeStruct((NP, 1), jnp.int32),
    )(kcol, krow)

    ranks = ranks2d.reshape(NP)
    gsrc_pad = jnp.concatenate(
        [gsrc, jnp.zeros((NP - N, D), jnp.float32)], axis=0)
    eflat = edge_index.reshape(E2)

    sc = functools.partial(
        pl.kernel,
        mesh=plsc.VectorSubcoreMesh(core_axis_name="c", subcore_axis_name="s"),
        compiler_params=pltpu.CompilerParams(needs_layout_passes=False),
        out_type=[
            jax.ShapeDtypeStruct((NP, D), jnp.float32),
            jax.ShapeDtypeStruct((NP,), jnp.int32),
            jax.ShapeDtypeStruct((E2,), edge_index.dtype),
        ],
        scratch_types=[
            pltpu.VMEM((5, 64), jnp.int32),
            pltpu.VMEM((ROWS_PT, D), jnp.float32),
            pltpu.VMEM((5, 64), jnp.int32),
            pltpu.VMEM((NP,), jnp.int32),
            pltpu.VMEM((EDGES_PT,), jnp.int32),
            pltpu.VMEM((EDGES_PT,), jnp.int32),
            pltpu.SemaphoreType.DMA,
            pltpu.SemaphoreType.DMA,
            pltpu.SemaphoreType.DMA,
        ],
    )(_sc_body)
    gated_pad, perm_pad, newe = sc(
        ranks.reshape(NTILES, 5, 64), ranks, gsrc_pad, eflat)

    return (gated_pad[:N], newe.reshape(2, E), scores, perm_pad[:N])

# --- scband reference (transcript-rebuilt; emitter-appended) ---
"""Pipeline reference for scband-skip-pool-full-25890062861063 (READ-ONLY COPY).

The authoritative reference and input builder live on the scoring server;
editing this copy changes nothing except your own understanding.
"""

import jax, jax.numpy as jnp
import numpy as np

N = 10000
D = 128
E = 320000

def setup_inputs(seed: int = 0) -> dict:
    key = jax.random.key(seed)
    k1, k2, k3, k4 = jax.random.split(key, 4)
    x = jax.random.normal(k1, (N, D), dtype=jnp.float32)
    edge_index = jax.random.randint(k2, (2, E), 0, N).astype(jnp.int64)
    # TopKPool score layer: torch.nn.Linear(in_channels, 1) -> weight [1, D], bias [1]
    W = jax.random.normal(k3, (1, D), dtype=jnp.float32) * 0.05
    b = jnp.zeros((1,), dtype=jnp.float32)
    epoch = 5
    return {"x": x, "edge_index": edge_index, "epoch": epoch, "W": W, "b": b}

def reference(x, edge_index, epoch, W, b):
    # SKipPool_Full.__init__ sets init_ratio=0.999999 then (>=0.999) -> 1.0,
    # so the TopKPool scorer keeps ALL nodes but ranks them by score (top-k masking
    # degenerates to a full descending sort within the single batch graph).
    # --- TopKPool scorer (Dropout p=0 -> Identity) ---
    scores = (x @ W.T + b).reshape(-1)
    scores = scores / jnp.linalg.norm(W)  # vector_norm(weight)
    # topk(scores, ratio=1.0, batch=zeros): perm = argsort descending (all kept)
    perm = jnp.argsort(-scores)
    x_p = jnp.take(x, perm, axis=0)
    # filter_adj with all nodes kept: relabel node ids by their rank
    mask = jnp.zeros((N,), dtype=edge_index.dtype).at[perm].set(
        jnp.arange(N, dtype=edge_index.dtype))
    new_edge_index = jnp.take(mask, edge_index)
    # scores_ranked = non_linearity(scores[perm]) (non_linearity = tanh)
    scores_ranked = jnp.tanh(jnp.take(scores, perm)).reshape(-1, 1)
    # gated ranked features (x[perm] modulated by ranked scores)
    gated = x_p * scores_ranked
    return gated, new_edge_index, scores, perm

if __name__ == "__main__":
    import jax
    _d = setup_inputs()
    print(jax.jit(kernel)(*tuple(_d.values())))

</pallas_src>

<mosaic_0001>
#map = affine_map<(d0, d1) -> (0, 0, 0)>
#map1 = affine_map<(d0, d1) -> (0)>
#map2 = affine_map<(d0, d1) -> (0, 0)>
module attributes {stable_mosaic.version = 14 : i64} {
  func.func @_sc_body(%arg0: i32, %arg1: i32, %arg2: memref<32x5x64xi32, #tpu.memory_space<hbm>>, %arg3: memref<10240xi32, #tpu.memory_space<hbm>>, %arg4: memref<10240x128xf32, #tpu.memory_space<hbm>>, %arg5: memref<640000xi32, #tpu.memory_space<hbm>>, %arg6: memref<10240x128xf32, #tpu.memory_space<hbm>>, %arg7: memref<10240xi32, #tpu.memory_space<hbm>>, %arg8: memref<640000xi32, #tpu.memory_space<hbm>>, %arg9: memref<5x64xi32, #tpu.memory_space<vmem>>, %arg10: memref<320x128xf32, #tpu.memory_space<vmem>>, %arg11: memref<5x64xi32, #tpu.memory_space<vmem>>, %arg12: memref<10240xi32, #tpu.memory_space<vmem>>, %arg13: memref<20000xi32, #tpu.memory_space<vmem>>, %arg14: memref<20000xi32, #tpu.memory_space<vmem>>, %arg15: memref<!tpu.dma_semaphore, #tpu.memory_space<semaphore_mem>>, %arg16: memref<!tpu.dma_semaphore, #tpu.memory_space<semaphore_mem>>, %arg17: memref<!tpu.dma_semaphore, #tpu.memory_space<semaphore_mem>>) attributes {dimension_semantics = [#tpu.dimension_semantics<core_parallel>, #tpu.dimension_semantics<subcore_parallel>], iteration_bounds = array<i64: 2, 16>, scalar_prefetch = 0 : i64, scratch_operands = 9 : i64, tpu.core_type = #tpu.core_type<sc_vector_subcore>, window_params = [{transform_indices = #map}, {transform_indices = #map1}, {transform_indices = #map2}, {transform_indices = #map1}, {transform_indices = #map2}, {transform_indices = #map1}, {transform_indices = #map1}]} {
    %mul3A = arith.constant 2 : i32
    %mul3A_0 = arith.muli %arg1, %mul3A : i32
    %add3A = arith.addi %mul3A_0, %arg0 : i32
    %mul3A_1 = arith.constant 320 : i32
    %mul3A_2 = arith.muli %add3A, %mul3A_1 : i32
    %mul3A_3 = arith.constant 20000 : i32
    %mul3A_4 = arith.muli %add3A, %mul3A_3 : i32
    %dma_start3A = tpu.memref_slice %arg5[%mul3A_4] : memref<640000xi32, #tpu.memory_space<hbm>> -> memref<20000xi32, #tpu.memory_space<hbm>>
    %dma_start3A_5 = tpu.memref_slice %arg5[%mul3A_4] : memref<640000xi32, #tpu.memory_space<hbm>> -> memref<20000xi32, #tpu.memory_space<hbm>>
    tpu.enqueue_dma source(%dma_start3A_5 : memref<20000xi32, #tpu.memory_space<hbm>>) target(%arg13 : memref<20000xi32, #tpu.memory_space<vmem>>) target_semaphore(%arg17 : memref<!tpu.dma_semaphore, #tpu.memory_space<semaphore_mem>>)
    tpu.enqueue_dma source(%arg3 : memref<10240xi32, #tpu.memory_space<hbm>>) target(%arg12 : memref<10240xi32, #tpu.memory_space<vmem>>) target_semaphore(%arg17 : memref<!tpu.dma_semaphore, #tpu.memory_space<semaphore_mem>>)
    %dma_start3A_6 = arith.constant 0 : i32
    %dma_start3A_7 = arith.constant 0 : i32
    %dma_start3A_8 = tpu.memref_slice %arg2[%add3A, %dma_start3A_6, %dma_start3A_7] : memref<32x5x64xi32, #tpu.memory_space<hbm>> -> memref<1x5x64xi32, #tpu.memory_space<hbm>>
    %dma_start3A_9 = tpu.memref_squeeze %dma_start3A_8 : memref<1x5x64xi32, #tpu.memory_space<hbm>> -> memref<5x64xi32, #tpu.memory_space<hbm>>
    %dma_start3A_10 = arith.constant 0 : i32
    %dma_start3A_11 = arith.constant 0 : i32
    %dma_start3A_12 = tpu.memref_slice %arg2[%add3A, %dma_start3A_10, %dma_start3A_11] : memref<32x5x64xi32, #tpu.memory_space<hbm>> -> memref<1x5x64xi32, #tpu.memory_space<hbm>>
    %dma_start3A_13 = tpu.memref_squeeze %dma_start3A_12 : memref<1x5x64xi32, #tpu.memory_space<hbm>> -> memref<5x64xi32, #tpu.memory_space<hbm>>
    tpu.enqueue_dma source(%dma_start3A_13 : memref<5x64xi32, #tpu.memory_space<hbm>>) target(%arg9 : memref<5x64xi32, #tpu.memory_space<vmem>>) target_semaphore(%arg17 : memref<!tpu.dma_semaphore, #tpu.memory_space<semaphore_mem>>)
    %dma_start3A_14 = arith.constant 0 : i32
    %dma_start3A_15 = tpu.memref_slice %arg4[%mul3A_2, %dma_start3A_14] : memref<10240x128xf32, #tpu.memory_space<hbm>> -> memref<320x128xf32, #tpu.memory_space<hbm>>
    %dma_start3A_16 = arith.constant 0 : i32
    %dma_start3A_17 = tpu.memref_slice %arg4[%mul3A_2, %dma_start3A_16] : memref<10240x128xf32, #tpu.memory_space<hbm>> -> memref<320x128xf32, #tpu.memory_space<hbm>>
    tpu.enqueue_dma source(%dma_start3A_17 : memref<320x128xf32, #tpu.memory_space<hbm>>) target(%arg10 : memref<320x128xf32, #tpu.memory_space<vmem>>) target_semaphore(%arg17 : memref<!tpu.dma_semaphore, #tpu.memory_space<semaphore_mem>>)
    %dma_wait3A = tpu.memref_slice %arg5[%mul3A_4] : memref<640000xi32, #tpu.memory_space<hbm>> -> memref<20000xi32, #tpu.memory_space<hbm>>
    %dma_wait3A_18 = tpu.memref_slice %arg5[%mul3A_4] : memref<640000xi32, #tpu.memory_space<hbm>> -> memref<20000xi32, #tpu.memory_space<hbm>>
    tpu.wait_dma2 semaphore(%arg17 : memref<!tpu.dma_semaphore, #tpu.memory_space<semaphore_mem>>) src(%dma_wait3A_18 : memref<20000xi32, #tpu.memory_space<hbm>>) dst(%arg13 : memref<20000xi32, #tpu.memory_space<vmem>>)
    tpu.wait_dma2 semaphore(%arg17 : memref<!tpu.dma_semaphore, #tpu.memory_space<semaphore_mem>>) src(%arg3 : memref<10240xi32, #tpu.memory_space<hbm>>) dst(%arg12 : memref<10240xi32, #tpu.memory_space<vmem>>)
    %dma_wait3A_19 = arith.constant 0 : i32
    %dma_wait3A_20 = arith.constant 0 : i32
    %dma_wait3A_21 = tpu.memref_slice %arg2[%add3A, %dma_wait3A_19, %dma_wait3A_20] : memref<32x5x64xi32, #tpu.memory_space<hbm>> -> memref<1x5x64xi32, #tpu.memory_space<hbm>>
    %dma_wait3A_22 = tpu.memref_squeeze %dma_wait3A_21 : memref<1x5x64xi32, #tpu.memory_space<hbm>> -> memref<5x64xi32, #tpu.memory_space<hbm>>
    %dma_wait3A_23 = arith.constant 0 : i32
    %dma_wait3A_24 = arith.constant 0 : i32
    %dma_wait3A_25 = tpu.memref_slice %arg2[%add3A, %dma_wait3A_23, %dma_wait3A_24] : memref<32x5x64xi32, #tpu.memory_space<hbm>> -> memref<1x5x64xi32, #tpu.memory_space<hbm>>
    %dma_wait3A_26 = tpu.memref_squeeze %dma_wait3A_25 : memref<1x5x64xi32, #tpu.memory_space<hbm>> -> memref<5x64xi32, #tpu.memory_space<hbm>>
    tpu.wait_dma2 semaphore(%arg17 : memref<!tpu.dma_semaphore, #tpu.memory_space<semaphore_mem>>) src(%dma_wait3A_26 : memref<5x64xi32, #tpu.memory_space<hbm>>) dst(%arg9 : memref<5x64xi32, #tpu.memory_space<vmem>>)
    %dma_wait3A_27 = arith.constant 0 : i32
    %dma_wait3A_28 = tpu.memref_slice %arg4[%mul3A_2, %dma_wait3A_27] : memref<10240x128xf32, #tpu.memory_space<hbm>> -> memref<320x128xf32, #tpu.memory_space<hbm>>
    %dma_wait3A_29 = arith.constant 0 : i32
    %dma_wait3A_30 = tpu.memref_slice %arg4[%mul3A_2, %dma_wait3A_29] : memref<10240x128xf32, #tpu.memory_space<hbm>> -> memref<320x128xf32, #tpu.memory_space<hbm>>
    tpu.wait_dma2 semaphore(%arg17 : memref<!tpu.dma_semaphore, #tpu.memory_space<semaphore_mem>>) src(%dma_wait3A_30 : memref<320x128xf32, #tpu.memory_space<hbm>>) dst(%arg10 : memref<320x128xf32, #tpu.memory_space<vmem>>)
    %add3A_31 = arith.constant 0 : i32
    %add3A_32 = arith.addi %mul3A_2, %add3A_31 : i32
    %iota3A = tpu.iota {dimensions = array<i32: 0>} : vector<16xi32>
    %add3A_33 = vector.broadcast %add3A_32 : i32 to vector<16xi32>
    %add3A_34 = arith.addi %add3A_33, %iota3A : vector<16xi32>
    %swap3A = arith.constant 0 : i32
    %swap3A_35 = arith.index_cast %swap3A : i32 to index
    %swap3A_36 = arith.constant 0 : index
    %swap3A_37 = tpu.vector_load %arg11[%swap3A_35, %swap3A_36] {strides = array<i32>} : memref<5x64xi32, #tpu.memory_space<vmem>>, vector<16xi32>,
    tpu.vector_store %arg11[%swap3A_35, %swap3A_36], %add3A_34 {strides = array<i32>} : memref<5x64xi32, #tpu.memory_space<vmem>>, vector<16xi32>,
    %add3A_38 = arith.constant 16 : i32
    %add3A_39 = arith.addi %mul3A_2, %add3A_38 : i32
    %iota3A_40 = tpu.iota {dimensions = array<i32: 0>} : vector<16xi32>
    %add3A_41 = vector.broadcast %add3A_39 : i32 to vector<16xi32>
    %add3A_42 = arith.addi %add3A_41, %iota3A_40 : vector<16xi32>
    %swap3A_43 = arith.constant 0 : i32
    %swap3A_44 = arith.index_cast %swap3A_43 : i32 to index
    %swap3A_45 = arith.constant 16 : index
    %swap3A_46 = tpu.vector_load %arg11[%swap3A_44, %swap3A_45] {strides = array<i32>} : memref<5x64xi32, #tpu.memory_space<vmem>>, vector<16xi32>,
    tpu.vector_store %arg11[%swap3A_44, %swap3A_45], %add3A_42 {strides = array<i32>} : memref<5x64xi32, #tpu.memory_space<vmem>>, vector<16xi32>,
    %add3A_47 = arith.constant 32 : i32
    %add3A_48 = arith.addi %mul3A_2, %add3A_47 : i32
    %iota3A_49 = tpu.iota {dimensions = array<i32: 0>} : vector<16xi32>
    %add3A_50 = vector.broadcast %add3A_48 : i32 to vector<16xi32>
    %add3A_51 = arith.addi %add3A_50, %iota3A_49 : vector<16xi32>
    %swap3A_52 = arith.constant 0 : i32
    %swap3A_53 = arith.index_cast %swap3A_52 : i32 to index
    %swap3A_54 = arith.constant 32 : index
    %swap3A_55 = tpu.vector_load %arg11[%swap3A_53, %swap3A_54] {strides = array<i32>} : memref<5x64xi32, #tpu.memory_space<vmem>>, vector<16xi32>,
    tpu.vector_store %arg11[%swap3A_53, %swap3A_54], %add3A_51 {strides = array<i32>} : memref<5x64xi32, #tpu.memory_space<vmem>>, vector<16xi32>,
    %add3A_56 = arith.constant 48 : i32
    %add3A_57 = arith.addi %mul3A_2, %add3A_56 : i32
    %iota3A_58 = tpu.iota {dimensions = array<i32: 0>} : vector<16xi32>
    %add3A_59 = vector.broadcast %add3A_57 : i32 to vector<16xi32>
    %add3A_60 = arith.addi %add3A_59, %iota3A_58 : vector<16xi32>
    %swap3A_61 = arith.constant 0 : i32
    %swap3A_62 = arith.index_cast %swap3A_61 : i32 to index
    %swap3A_63 = arith.constant 48 : index
    %swap3A_64 = tpu.vector_load %arg11[%swap3A_62, %swap3A_63] {strides = array<i32>} : memref<5x64xi32, #tpu.memory_space<vmem>>, vector<16xi32>,
    tpu.vector_store %arg11[%swap3A_62, %swap3A_63], %add3A_60 {strides = array<i32>} : memref<5x64xi32, #tpu.memory_space<vmem>>, vector<16xi32>,
    %add3A_65 = arith.constant 64 : i32
    %add3A_66 = arith.addi %mul3A_2, %add3A_65 : i32
    %iota3A_67 = tpu.iota {dimensions = array<i32: 0>} : vector<16xi32>
    %add3A_68 = vector.broadcast %add3A_66 : i32 to vector<16xi32>
    %add3A_69 = arith.addi %add3A_68, %iota3A_67 : vector<16xi32>
    %swap3A_70 = arith.constant 1 : i32
    %swap3A_71 = arith.index_cast %swap3A_70 : i32 to index
    %swap3A_72 = arith.constant 0 : index
    %swap3A_73 = tpu.vector_load %arg11[%swap3A_71, %swap3A_72] {strides = array<i32>} : memref<5x64xi32, #tpu.memory_space<vmem>>, vector<16xi32>,
    tpu.vector_store %arg11[%swap3A_71, %swap3A_72], %add3A_69 {strides = array<i32>} : memref<5x64xi32, #tpu.memory_space<vmem>>, vector<16xi32>,
    %add3A_74 = arith.constant 80 : i32
    %add3A_75 = arith.addi %mul3A_2, %add3A_74 : i32
    %iota3A_76 = tpu.iota {dimensions = array<i32: 0>} : vector<16xi32>
    %add3A_77 = vector.broadcast %add3A_75 : i32 to vector<16xi32>
    %add3A_78 = arith.addi %add3A_77, %iota3A_76 : vector<16xi32>
    %swap3A_79 = arith.constant 1 : i32
    %swap3A_80 = arith.index_cast %swap3A_79 : i32 to index
    %swap3A_81 = arith.constant 16 : index
    %swap3A_82 = tpu.vector_load %arg11[%swap3A_80, %swap3A_81] {strides = array<i32>} : memref<5x64xi32, #tpu.memory_space<vmem>>, vector<16xi32>,
    tpu.vector_store %arg11[%swap3A_80, %swap3A_81], %add3A_78 {strides = array<i32>} : memref<5x64xi32, #tpu.memory_space<vmem>>, vector<16xi32>,
    %add3A_83 = arith.constant 96 : i32
    %add3A_84 = arith.addi %mul3A_2, %add3A_83 : i32
    %iota3A_85 = tpu.iota {dimensions = array<i32: 0>} : vector<16xi32>
    %add3A_86 = vector.broadcast %add3A_84 : i32 to vector<16xi32>
    %add3A_87 = arith.addi %add3A_86, %iota3A_85 : vector<16xi32>
    %swap3A_88 = arith.constant 1 : i32
    %swap3A_89 = arith.index_cast %swap3A_88 : i32 to index
    %swap3A_90 = arith.constant 32 : index
    %swap3A_91 = tpu.vector_load %arg11[%swap3A_89, %swap3A_90] {strides = array<i32>} : memref<5x64xi32, #tpu.memory_space<vmem>>, vector<16xi32>,
    tpu.vector_store %arg11[%swap3A_89, %swap3A_90], %add3A_87 {strides = array<i32>} : memref<5x64xi32, #tpu.memory_space<vmem>>, vector<16xi32>,
    %add3A_92 = arith.constant 112 : i32
    %add3A_93 = arith.addi %mul3A_2, %add3A_92 : i32
    %iota3A_94 = tpu.iota {dimensions = array<i32: 0>} : vector<16xi32>
    %add3A_95 = vector.broadcast %add3A_93 : i32 to vector<16xi32>
    %add3A_96 = arith.addi %add3A_95, %iota3A_94 : vector<16xi32>
    %swap3A_97 = arith.constant 1 : i32
    %swap3A_98 = arith.index_cast %swap3A_97 : i32 to index
    %swap3A_99 = arith.constant 48 : index
    %swap3A_100 = tpu.vector_load %arg11[%swap3A_98, %swap3A_99] {strides = array<i32>} : memref<5x64xi32, #tpu.memory_space<vmem>>, vector<16xi32>,
    tpu.vector_store %arg11[%swap3A_98, %swap3A_99], %add3A_96 {strides = array<i32>} : memref<5x64xi32, #tpu.memory_space<vmem>>, vector<16xi32>,
    %add3A_101 = arith.constant 128 : i32
    %add3A_102 = arith.addi %mul3A_2, %add3A_101 : i32
    %iota3A_103 = tpu.iota {dimensions = array<i32: 0>} : vector<16xi32>
    %add3A_104 = vector.broadcast %add3A_102 : i32 to vector<16xi32>
    %add3A_105 = arith.addi %add3A_104, %iota3A_103 : vector<16xi32>
    %swap3A_106 = arith.constant 2 : i32
    %swap3A_107 = arith.index_cast %swap3A_106 : i32 to index
    %swap3A_108 = arith.constant 0 : index
    %swap3A_109 = tpu.vector_load %arg11[%swap3A_107, %swap3A_108] {strides = array<i32>} : memref<5x64xi32, #tpu.memory_space<vmem>>, vector<16xi32>,
    tpu.vector_store %arg11[%swap3A_107, %swap3A_108], %add3A_105 {strides = array<i32>} : memref<5x64xi32, #tpu.memory_space<vmem>>, vector<16xi32>,
    %add3A_110 = arith.constant 144 : i32
    %add3A_111 = arith.addi %mul3A_2, %add3A_110 : i32
    %iota3A_112 = tpu.iota {dimensions = array<i32: 0>} : vector<16xi32>
    %add3A_113 = vector.broadcast %add3A_111 : i32 to vector<16xi32>
    %add3A_114 = arith.addi %add3A_113, %iota3A_112 : vector<16xi32>
    %swap3A_115 = arith.constant 2 : i32
    %swap3A_116 = arith.index_cast %swap3A_115 : i32 to index
    %swap3A_117 = arith.constant 16 : index
    %swap3A_118 = tpu.vector_load %arg11[%swap3A_116, %swap3A_117] {strides = array<i32>} : memref<5x64xi32, #tpu.memory_space<vmem>>, vector<16xi32>,
    tpu.vector_store %arg11[%swap3A_116, %swap3A_117], %add3A_114 {strides = array<i32>} : memref<5x64xi32, #tpu.memory_space<vmem>>, vector<16xi32>,
    %add3A_119 = arith.constant 160 : i32
    %add3A_120 = arith.addi %mul3A_2, %add3A_119 : i32
    %iota3A_121 = tpu.iota {dimensions = array<i32: 0>} : vector<16xi32>
    %add3A_122 = vector.broadcast %add3A_120 : i32 to vector<16xi32>
    %add3A_123 = arith.addi %add3A_122, %iota3A_121 : vector<16xi32>
    %swap3A_124 = arith.constant 2 : i32
    %swap3A_125 = arith.index_cast %swap3A_124 : i32 to index
    %swap3A_126 = arith.constant 32 : index
    %swap3A_127 = tpu.vector_load %arg11[%swap3A_125, %swap3A_126] {strides = array<i32>} : memref<5x64xi32, #tpu.memory_space<vmem>>, vector<16xi32>,
    tpu.vector_store %arg11[%swap3A_125, %swap3A_126], %add3A_123 {strides = array<i32>} : memref<5x64xi32, #tpu.memory_space<vmem>>, vector<16xi32>,
    %add3A_128 = arith.constant 176 : i32
    %add3A_129 = arith.addi %mul3A_2, %add3A_128 : i32
    %iota3A_130 = tpu.iota {dimensions = array<i32: 0>} : vector<16xi32>
    %add3A_131 = vector.broadcast %add3A_129 : i32 to vector<16xi32>
    %add3A_132 = arith.addi %add3A_131, %iota3A_130 : vector<16xi32>
    %swap3A_133 = arith.constant 2 : i32
    %swap3A_134 = arith.index_cast %swap3A_133 : i32 to index
    %swap3A_135 = arith.constant 48 : index
    %swap3A_136 = tpu.vector_load %arg11[%swap3A_134, %swap3A_135] {strides = array<i32>} : memref<5x64xi32, #tpu.memory_space<vmem>>, vector<16xi32>,
    tpu.vector_store %arg11[%swap3A_134, %swap3A_135], %add3A_132 {strides = array<i32>} : memref<5x64xi32, #tpu.memory_space<vmem>>, vector<16xi32>,
    %add3A_137 = arith.constant 192 : i32
    %add3A_138 = arith.addi %mul3A_2, %add3A_137 : i32
    %iota3A_139 = tpu.iota {dimensions = array<i32: 0>} : vector<16xi32>
    %add3A_140 = vector.broadcast %add3A_138 : i32 to vector<16xi32>
    %add3A_141 = arith.addi %add3A_140, %iota3A_139 : vector<16xi32>
    %swap3A_142 = arith.constant 3 : i32
    %swap3A_143 = arith.index_cast %swap3A_142 : i32 to index
    %swap3A_144 = arith.constant 0 : index
    %swap3A_145 = tpu.vector_load %arg11[%swap3A_143, %swap3A_144] {strides = array<i32>} : memref<5x64xi32, #tpu.memory_space<vmem>>, vector<16xi32>,
    tpu.vector_store %arg11[%swap3A_143, %swap3A_144], %add3A_141 {strides = array<i32>} : memref<5x64xi32, #tpu.memory_space<vmem>>, vector<16xi32>,
    %add3A_146 = arith.constant 208 : i32
    %add3A_147 = arith.addi %mul3A_2, %add3A_146 : i32
    %iota3A_148 = tpu.iota {dimensions = array<i32: 0>} : vector<16xi32>
    %add3A_149 = vector.broadcast %add3A_147 : i32 to vector<16xi32>
    %add3A_150 = arith.addi %add3A_149, %iota3A_148 : vector<16xi32>
    %swap3A_151 = arith.constant 3 : i32
    %swap3A_152 = arith.index_cast %swap3A_151 : i32 to index
    %swap3A_153 = arith.constant 16 : index
    %swap3A_154 = tpu.vector_load %arg11[%swap3A_152, %swap3A_153] {strides = array<i32>} : memref<5x64xi32, #tpu.memory_space<vmem>>, vector<16xi32>,
    tpu.vector_store %arg11[%swap3A_152, %swap3A_153], %add3A_150 {strides = array<i32>} : memref<5x64xi32, #tpu.memory_space<vmem>>, vector<16xi32>,
    %add3A_155 = arith.constant 224 : i32
    %add3A_156 = arith.addi %mul3A_2, %add3A_155 : i32
    %iota3A_157 = tpu.iota {dimensions = array<i32: 0>} : vector<16xi32>
    %add3A_158 = vector.broadcast %add3A_156 : i32 to vector<16xi32>
    %add3A_159 = arith.addi %add3A_158, %iota3A_157 : vector<16xi32>
    %swap3A_160 = arith.constant 3 : i32
    %swap3A_161 = arith.index_cast %swap3A_160 : i32 to index
    %swap3A_162 = arith.constant 32 : index
    %swap3A_163 = tpu.vector_load %arg11[%swap3A_161, %swap3A_162] {strides = array<i32>} : memref<5x64xi32, #tpu.memory_space<vmem>>, vector<16xi32>,
    tpu.vector_store %arg11[%swap3A_161, %swap3A_162], %add3A_159 {strides = array<i32>} : memref<5x64xi32, #tpu.memory_space<vmem>>, vector<16xi32>,
    %add3A_164 = arith.constant 240 : i32
    %add3A_165 = arith.addi %mul3A_2, %add3A_164 : i32
    %iota3A_166 = tpu.iota {dimensions = array<i32: 0>} : vector<16xi32>
    %add3A_167 = vector.broadcast %add3A_165 : i32 to vector<16xi32>
    %add3A_168 = arith.addi %add3A_167, %iota3A_166 : vector<16xi32>
    %swap3A_169 = arith.constant 3 : i32
    %swap3A_170 = arith.index_cast %swap3A_169 : i32 to index
    %swap3A_171 = arith.constant 48 : index
    %swap3A_172 = tpu.vector_load %arg11[%swap3A_170, %swap3A_171] {strides = array<i32>} : memref<5x64xi32, #tpu.memory_space<vmem>>, vector<16xi32>,
    tpu.vector_store %arg11[%swap3A_170, %swap3A_171], %add3A_168 {strides = array<i32>} : memref<5x64xi32, #tpu.memory_space<vmem>>, vector<16xi32>,
    %add3A_173 = arith.constant 256 : i32
    %add3A_174 = arith.addi %mul3A_2, %add3A_173 : i32
    %iota3A_175 = tpu.iota {dimensions = array<i32: 0>} : vector<16xi32>
    %add3A_176 = vector.broadcast %add3A_174 : i32 to vector<16xi32>
    %add3A_177 = arith.addi %add3A_176, %iota3A_175 : vector<16xi32>
    %swap3A_178 = arith.constant 4 : i32
    %swap3A_179 = arith.index_cast %swap3A_178 : i32 to index
    %swap3A_180 = arith.constant 0 : index
    %swap3A_181 = tpu.vector_load %arg11[%swap3A_179, %swap3A_180] {strides = array<i32>} : memref<5x64xi32, #tpu.memory_space<vmem>>, vector<16xi32>,
    tpu.vector_store %arg11[%swap3A_179, %swap3A_180], %add3A_177 {strides = array<i32>} : memref<5x64xi32, #tpu.memory_space<vmem>>, vector<16xi32>,
    %add3A_182 = arith.constant 272 : i32
    %add3A_183 = arith.addi %mul3A_2, %add3A_182 : i32
    %iota3A_184 = tpu.iota {dimensions = array<i32: 0>} : vector<16xi32>
    %add3A_185 = vector.broadcast %add3A_183 : i32 to vector<16xi32>
    %add3A_186 = arith.addi %add3A_185, %iota3A_184 : vector<16xi32>
    %swap3A_187 = arith.constant 4 : i32
    %swap3A_188 = arith.index_cast %swap3A_187 : i32 to index
    %swap3A_189 = arith.constant 16 : index
    %swap3A_190 = tpu.vector_load %arg11[%swap3A_188, %swap3A_189] {strides = array<i32>} : memref<5x64xi32, #tpu.memory_space<vmem>>, vector<16xi32>,
    tpu.vector_store %arg11[%swap3A_188, %swap3A_189], %add3A_186 {strides = array<i32>} : memref<5x64xi32, #tpu.memory_space<vmem>>, vector<16xi32>,
    %add3A_191 = arith.constant 288 : i32
    %add3A_192 = arith.addi %mul3A_2, %add3A_191 : i32
    %iota3A_193 = tpu.iota {dimensions = array<i32: 0>} : vector<16xi32>
    %add3A_194 = vector.broadcast %add3A_192 : i32 to vector<16xi32>
    %add3A_195 = arith.addi %add3A_194, %iota3A_193 : vector<16xi32>
    %swap3A_196 = arith.constant 4 : i32
    %swap3A_197 = arith.index_cast %swap3A_196 : i32 to index
    %swap3A_198 = arith.constant 32 : index
    %swap3A_199 = tpu.vector_load %arg11[%swap3A_197, %swap3A_198] {strides = array<i32>} : memref<5x64xi32, #tpu.memory_space<vmem>>, vector<16xi32>,
    tpu.vector_store %arg11[%swap3A_197, %swap3A_198], %add3A_195 {strides = array<i32>} : memref<5x64xi32, #tpu.memory_space<vmem>>, vector<16xi32>,
    %add3A_200 = arith.constant 304 : i32
    %add3A_201 = arith.addi %mul3A_2, %add3A_200 : i32
    %iota3A_202 = tpu.iota {dimensions = array<i32: 0>} : vector<16xi32>
    %add3A_203 = vector.broadcast %add3A_201 : i32 to vector<16xi32>
    %add3A_204 = arith.addi %add3A_203, %iota3A_202 : vector<16xi32>
    %swap3A_205 = arith.constant 4 : i32
    %swap3A_206 = arith.index_cast %swap3A_205 : i32 to index
    %swap3A_207 = arith.constant 48 : index
    %swap3A_208 = tpu.vector_load %arg11[%swap3A_206, %swap3A_207] {strides = array<i32>} : memref<5x64xi32, #tpu.memory_space<vmem>>, vector<16xi32>,
    tpu.vector_store %arg11[%swap3A_206, %swap3A_207], %add3A_204 {strides = array<i32>} : memref<5x64xi32, #tpu.memory_space<vmem>>, vector<16xi32>,
    %dma_start3A_209 = arith.constant 0 : i32
    %dma_start3A_210 = arith.constant 0 : i32
    %dma_start3A_211 = arith.constant 0 : i32
    %dma_start3A_212 = tpu.memref_slice %arg10[%dma_start3A_210, %dma_start3A_211] : memref<320x128xf32, #tpu.memory_space<vmem>> -> memref<64x128xf32, #tpu.memory_space<vmem>>
    %dma_start3A_213 = arith.constant 0 : i32
    %dma_start3A_214 = tpu.memref_slice %arg9[%dma_start3A_209, %dma_start3A_213] : memref<5x64xi32, #tpu.memory_space<vmem>> -> memref<1x64xi32, #tpu.memory_space<vmem>>
    %dma_start3A_215 = tpu.memref_squeeze %dma_start3A_214 : memref<1x64xi32, #tpu.memory_space<vmem>> -> memref<64xi32, #tpu.memory_space<vmem>>
    %dma_start3A_216 = arith.constant 0 : i32
    %dma_start3A_217 = arith.constant 0 : i32
    %dma_start3A_218 = tpu.memref_slice %arg6[%dma_start3A_216, %dma_start3A_217] : memref<10240x128xf32, #tpu.memory_space<hbm>> -> memref<10240x128xf32, #tpu.memory_space<hbm>>
    tpu.enqueue_indirect_dma source(%dma_start3A_212 : memref<64x128xf32, #tpu.memory_space<vmem>>) target(%dma_start3A_218 : memref<10240x128xf32, #tpu.memory_space<hbm>>) offsets(%dma_start3A_215 : memref<64xi32, #tpu.memory_space<vmem>>) semaphore(%arg15 : memref<!tpu.dma_semaphore, #tpu.memory_space<semaphore_mem>>)
    %dma_start3A_219 = arith.constant 0 : i32
    %dma_start3A_220 = arith.constant 0 : i32
    %dma_start3A_221 = arith.constant 0 : i32
    %dma_start3A_222 = tpu.memref_slice %arg11[%dma_start3A_219, %dma_start3A_221] : memref<5x64xi32, #tpu.memory_space<vmem>> -> memref<1x64xi32, #tpu.memory_space<vmem>>
    %dma_start3A_223 = tpu.memref_squeeze %dma_start3A_222 : memref<1x64xi32, #tpu.memory_space<vmem>> -> memref<64xi32, #tpu.memory_space<vmem>>
    %dma_start3A_224 = arith.constant 0 : i32
    %dma_start3A_225 = tpu.memref_slice %arg9[%dma_start3A_220, %dma_start3A_224] : memref<5x64xi32, #tpu.memory_space<vmem>> -> memref<1x64xi32, #tpu.memory_space<vmem>>
    %dma_start3A_226 = tpu.memref_squeeze %dma_start3A_225 : memref<1x64xi32, #tpu.memory_space<vmem>> -> memref<64xi32, #tpu.memory_space<vmem>>
    %dma_start3A_227 = arith.constant 0 : i32
    %dma_start3A_228 = tpu.memref_slice %arg7[%dma_start3A_227] : memref<10240xi32, #tpu.memory_space<hbm>> -> memref<10240xi32, #tpu.memory_space<hbm>>
    tpu.enqueue_indirect_dma source(%dma_start3A_223 : memref<64xi32, #tpu.memory_space<vmem>>) target(%dma_start3A_228 : memref<10240xi32, #tpu.memory_space<hbm>>) offsets(%dma_start3A_226 : memref<64xi32, #tpu.memory_space<vmem>>) semaphore(%arg16 : memref<!tpu.dma_semaphore, #tpu.memory_space<semaphore_mem>>)
    %dma_start3A_229 = arith.constant 1 : i32
    %dma_start3A_230 = arith.constant 64 : i32
    %dma_start3A_231 = arith.constant 0 : i32
    %dma_start3A_232 = tpu.memref_slice %arg10[%dma_start3A_230, %dma_start3A_231] : memref<320x128xf32, #tpu.memory_space<vmem>> -> memref<64x128xf32, #tpu.memory_space<vmem>>
    %dma_start3A_233 = arith.constant 0 : i32
    %dma_start3A_234 = tpu.memref_slice %arg9[%dma_start3A_229, %dma_start3A_233] : memref<5x64xi32, #tpu.memory_space<vmem>> -> memref<1x64xi32, #tpu.memory_space<vmem>>
    %dma_start3A_235 = tpu.memref_squeeze %dma_start3A_234 : memref<1x64xi32, #tpu.memory_space<vmem>> -> memref<64xi32, #tpu.memory_space<vmem>>
    %dma_start3A_236 = arith.constant 0 : i32
    %dma_start3A_237 = arith.constant 0 : i32
    %dma_start3A_238 = tpu.memref_slice %arg6[%dma_start3A_236, %dma_start3A_237] : memref<10240x128xf32, #tpu.memory_space<hbm>> -> memref<10240x128xf32, #tpu.memory_space<hbm>>
    tpu.enqueue_indirect_dma source(%dma_start3A_232 : memref<64x128xf32, #tpu.memory_space<vmem>>) target(%dma_start3A_238 : memref<10240x128xf32, #tpu.memory_space<hbm>>) offsets(%dma_start3A_235 : memref<64xi32, #tpu.memory_space<vmem>>) semaphore(%arg15 : memref<!tpu.dma_semaphore, #tpu.memory_space<semaphore_mem>>)
    %dma_start3A_239 = arith.constant 1 : i32
    %dma_start3A_240 = arith.constant 1 : i32
    %dma_start3A_241 = arith.constant 0 : i32
    %dma_start3A_242 = tpu.memref_slice %arg11[%dma_start3A_239, %dma_start3A_241] : memref<5x64xi32, #tpu.memory_space<vmem>> -> memref<1x64xi32, #tpu.memory_space<vmem>>
    %dma_start3A_243 = tpu.memref_squeeze %dma_start3A_242 : memref<1x64xi32, #tpu.memory_space<vmem>> -> memref<64xi32, #tpu.memory_space<vmem>>
    %dma_start3A_244 = arith.constant 0 : i32
    %dma_start3A_245 = tpu.memref_slice %arg9[%dma_start3A_240, %dma_start3A_244] : memref<5x64xi32, #tpu.memory_space<vmem>> -> memref<1x64xi32, #tpu.memory_space<vmem>>
    %dma_start3A_246 = tpu.memref_squeeze %dma_start3A_245 : memref<1x64xi32, #tpu.memory_space<vmem>> -> memref<64xi32, #tpu.memory_space<vmem>>
    %dma_start3A_247 = arith.constant 0 : i32
    %dma_start3A_248 = tpu.memref_slice %arg7[%dma_start3A_247] : memref<10240xi32, #tpu.memory_space<hbm>> -> memref<10240xi32, #tpu.memory_space<hbm>>
    tpu.enqueue_indirect_dma source(%dma_start3A_243 : memref<64xi32, #tpu.memory_space<vmem>>) target(%dma_start3A_248 : memref<10240xi32, #tpu.memory_space<hbm>>) offsets(%dma_start3A_246 : memref<64xi32, #tpu.memory_space<vmem>>) semaphore(%arg16 : memref<!tpu.dma_semaphore, #tpu.memory_space<semaphore_mem>>)
    %dma_start3A_249 = arith.constant 2 : i32
    %dma_start3A_250 = arith.constant 128 : i32
    %dma_start3A_251 = arith.constant 0 : i32
    %dma_start3A_252 = tpu.memref_slice %arg10[%dma_start3A_250, %dma_start3A_251] : memref<320x128xf32, #tpu.memory_space<vmem>> -> memref<64x128xf32, #tpu.memory_space<vmem>>
    %dma_start3A_253 = arith.constant 0 : i32
    %dma_start3A_254 = tpu.memref_slice %arg9[%dma_start3A_249, %dma_start3A_253] : memref<5x64xi32, #tpu.memory_space<vmem>> -> memref<1x64xi32, #tpu.memory_space<vmem>>
    %dma_start3A_255 = tpu.memref_squeeze %dma_start3A_254 : memref<1x64xi32, #tpu.memory_space<vmem>> -> memref<64xi32, #tpu.memory_space<vmem>>
    %dma_start3A_256 = arith.constant 0 : i32
    %dma_start3A_257 = arith.constant 0 : i32
    %dma_start3A_258 = tpu.memref_slice %arg6[%dma_start3A_256, %dma_start3A_257] : memref<10240x128xf32, #tpu.memory_space<hbm>> -> memref<10240x128xf32, #tpu.memory_space<hbm>>
    tpu.enqueue_indirect_dma source(%dma_start3A_252 : memref<64x128xf32, #tpu.memory_space<vmem>>) target(%dma_start3A_258 : memref<10240x128xf32, #tpu.memory_space<hbm>>) offsets(%dma_start3A_255 : memref<64xi32, #tpu.memory_space<vmem>>) semaphore(%arg15 : memref<!tpu.dma_semaphore, #tpu.memory_space<semaphore_mem>>)
    %dma_start3A_259 = arith.constant 2 : i32
    %dma_start3A_260 = arith.constant 2 : i32
    %dma_start3A_261 = arith.constant 0 : i32
    %dma_start3A_262 = tpu.memref_slice %arg11[%dma_start3A_259, %dma_start3A_261] : memref<5x64xi32, #tpu.memory_space<vmem>> -> memref<1x64xi32, #tpu.memory_space<vmem>>
    %dma_start3A_263 = tpu.memref_squeeze %dma_start3A_262 : memref<1x64xi32, #tpu.memory_space<vmem>> -> memref<64xi32, #tpu.memory_space<vmem>>
    %dma_start3A_264 = arith.constant 0 : i32
    %dma_start3A_265 = tpu.memref_slice %arg9[%dma_start3A_260, %dma_start3A_264] : memref<5x64xi32, #tpu.memory_space<vmem>> -> memref<1x64xi32, #tpu.memory_space<vmem>>
    %dma_start3A_266 = tpu.memref_squeeze %dma_start3A_265 : memref<1x64xi32, #tpu.memory_space<vmem>> -> memref<64xi32, #tpu.memory_space<vmem>>
    %dma_start3A_267 = arith.constant 0 : i32
    %dma_start3A_268 = tpu.memref_slice %arg7[%dma_start3A_267] : memref<10240xi32, #tpu.memory_space<hbm>> -> memref<10240xi32, #tpu.memory_space<hbm>>
    tpu.enqueue_indirect_dma source(%dma_start3A_263 : memref<64xi32, #tpu.memory_space<vmem>>) target(%dma_start3A_268 : memref<10240xi32, #tpu.memory_space<hbm>>) offsets(%dma_start3A_266 : memref<64xi32, #tpu.memory_space<vmem>>) semaphore(%arg16 : memref<!tpu.dma_semaphore, #tpu.memory_space<semaphore_mem>>)
    %dma_start3A_269 = arith.constant 3 : i32
    %dma_start3A_270 = arith.constant 192 : i32
    %dma_start3A_271 = arith.constant 0 : i32
    %dma_start3A_272 = tpu.memref_slice %arg10[%dma_start3A_270, %dma_start3A_271] : memref<320x128xf32, #tpu.memory_space<vmem>> -> memref<64x128xf32, #tpu.memory_space<vmem>>
    %dma_start3A_273 = arith.constant 0 : i32
    %dma_start3A_274 = tpu.memref_slice %arg9[%dma_start3A_269, %dma_start3A_273] : memref<5x64xi32, #tpu.memory_space<vmem>> -> memref<1x64xi32, #tpu.memory_space<vmem>>
    %dma_start3A_275 = tpu.memref_squeeze %dma_start3A_274 : memref<1x64xi32, #tpu.memory_space<vmem>> -> memref<64xi32, #tpu.memory_space<vmem>>
    %dma_start3A_276 = arith.constant 0 : i32
    %dma_start3A_277 = arith.constant 0 : i32
    %dma_start3A_278 = tpu.memref_slice %arg6[%dma_start3A_276, %dma_start3A_277] : memref<10240x128xf32, #tpu.memory_space<hbm>> -> memref<10240x128xf32, #tpu.memory_space<hbm>>
    tpu.enqueue_indirect_dma source(%dma_start3A_272 : memref<64x128xf32, #tpu.memory_space<vmem>>) target(%dma_start3A_278 : memref<10240x128xf32, #tpu.memory_space<hbm>>) offsets(%dma_start3A_275 : memref<64xi32, #tpu.memory_space<vmem>>) semaphore(%arg15 : memref<!tpu.dma_semaphore, #tpu.memory_space<semaphore_mem>>)
    %dma_start3A_279 = arith.constant 3 : i32
    %dma_start3A_280 = arith.constant 3 : i32
    %dma_start3A_281 = arith.constant 0 : i32
    %dma_start3A_282 = tpu.memref_slice %arg11[%dma_start3A_279, %dma_start3A_281] : memref<5x64xi32, #tpu.memory_space<vmem>> -> memref<1x64xi32, #tpu.memory_space<vmem>>
    %dma_start3A_283 = tpu.memref_squeeze %dma_start3A_282 : memref<1x64xi32, #tpu.memory_space<vmem>> -> memref<64xi32, #tpu.memory_space<vmem>>
    %dma_start3A_284 = arith.constant 0 : i32
    %dma_start3A_285 = tpu.memref_slice %arg9[%dma_start3A_280, %dma_start3A_284] : memref<5x64xi32, #tpu.memory_space<vmem>> -> memref<1x64xi32, #tpu.memory_space<vmem>>
    %dma_start3A_286 = tpu.memref_squeeze %dma_start3A_285 : memref<1x64xi32, #tpu.memory_space<vmem>> -> memref<64xi32, #tpu.memory_space<vmem>>
    %dma_start3A_287 = arith.constant 0 : i32
    %dma_start3A_288 = tpu.memref_slice %arg7[%dma_start3A_287] : memref<10240xi32, #tpu.memory_space<hbm>> -> memref<10240xi32, #tpu.memory_space<hbm>>
    tpu.enqueue_indirect_dma source(%dma_start3A_283 : memref<64xi32, #tpu.memory_space<vmem>>) target(%dma_start3A_288 : memref<10240xi32, #tpu.memory_space<hbm>>) offsets(%dma_start3A_286 : memref<64xi32, #tpu.memory_space<vmem>>) semaphore(%arg16 : memref<!tpu.dma_semaphore, #tpu.memory_space<semaphore_mem>>)
    %dma_start3A_289 = arith.constant 4 : i32
    %dma_start3A_290 = arith.constant 256 : i32
    %dma_start3A_291 = arith.constant 0 : i32
    %dma_start3A_292 = tpu.memref_slice %arg10[%dma_start3A_290, %dma_start3A_291] : memref<320x128xf32, #tpu.memory_space<vmem>> -> memref<64x128xf32, #tpu.memory_space<vmem>>
    %dma_start3A_293 = arith.constant 0 : i32
    %dma_start3A_294 = tpu.memref_slice %arg9[%dma_start3A_289, %dma_start3A_293] : memref<5x64xi32, #tpu.memory_space<vmem>> -> memref<1x64xi32, #tpu.memory_space<vmem>>
    %dma_start3A_295 = tpu.memref_squeeze %dma_start3A_294 : memref<1x64xi32, #tpu.memory_space<vmem>> -> memref<64xi32, #tpu.memory_space<vmem>>
    %dma_start3A_296 = arith.constant 0 : i32
    %dma_start3A_297 = arith.constant 0 : i32
    %dma_start3A_298 = tpu.memref_slice %arg6[%dma_start3A_296, %dma_start3A_297] : memref<10240x128xf32, #tpu.memory_space<hbm>> -> memref<10240x128xf32, #tpu.memory_space<hbm>>
    tpu.enqueue_indirect_dma source(%dma_start3A_292 : memref<64x128xf32, #tpu.memory_space<vmem>>) target(%dma_start3A_298 : memref<10240x128xf32, #tpu.memory_space<hbm>>) offsets(%dma_start3A_295 : memref<64xi32, #tpu.memory_space<vmem>>) semaphore(%arg15 : memref<!tpu.dma_semaphore, #tpu.memory_space<semaphore_mem>>)
    %dma_start3A_299 = arith.constant 4 : i32
    %dma_start3A_300 = arith.constant 4 : i32
    %dma_start3A_301 = arith.constant 0 : i32
    %dma_start3A_302 = tpu.memref_slice %arg11[%dma_start3A_299, %dma_start3A_301] : memref<5x64xi32, #tpu.memory_space<vmem>> -> memref<1x64xi32, #tpu.memory_space<vmem>>
    %dma_start3A_303 = tpu.memref_squeeze %dma_start3A_302 : memref<1x64xi32, #tpu.memory_space<vmem>> -> memref<64xi32, #tpu.memory_space<vmem>>
    %dma_start3A_304 = arith.constant 0 : i32
    %dma_start3A_305 = tpu.memref_slice %arg9[%dma_start3A_300, %dma_start3A_304] : memref<5x64xi32, #tpu.memory_space<vmem>> -> memref<1x64xi32, #tpu.memory_space<vmem>>
    %dma_start3A_306 = tpu.memref_squeeze %dma_start3A_305 : memref<1x64xi32, #tpu.memory_space<vmem>> -> memref<64xi32, #tpu.memory_space<vmem>>
    %dma_start3A_307 = arith.constant 0 : i32
    %dma_start3A_308 = tpu.memref_slice %arg7[%dma_start3A_307] : memref<10240xi32, #tpu.memory_space<hbm>> -> memref<10240xi32, #tpu.memory_space<hbm>>
    tpu.enqueue_indirect_dma source(%dma_start3A_303 : memref<64xi32, #tpu.memory_space<vmem>>) target(%dma_start3A_308 : memref<10240xi32, #tpu.memory_space<hbm>>) offsets(%dma_start3A_306 : memref<64xi32, #tpu.memory_space<vmem>>) semaphore(%arg16 : memref<!tpu.dma_semaphore, #tpu.memory_space<semaphore_mem>>)
    %parallel_loop3A = arith.constant 0 : i32
    %parallel_loop3A_309 = arith.constant 20000 : i32
    %parallel_loop3A_310 = arith.constant 16 : i32
    scf.for %parallel_loop3A_411 = %parallel_loop3A to %parallel_loop3A_309 step %parallel_loop3A_310  : i32 {
      %parallel_loop3A_412 = arith.index_cast %parallel_loop3A_411 : i32 to index
      %parallel_loop3A_413 = tpu.vector_load %arg13[%parallel_loop3A_412] {strides = array<i32>} : memref<20000xi32, #tpu.memory_space<vmem>>, vector<16xi32>,
      %parallel_loop3A_414 = tpu.vector_load_idx %arg12[%parallel_loop3A_413] : memref<10240xi32, #tpu.memory_space<vmem>>[vector<16xi32>], vector<16xi32>,
      %parallel_loop3A_415 = arith.index_cast %parallel_loop3A_411 : i32 to index
      %parallel_loop3A_416 = tpu.vector_load %arg14[%parallel_loop3A_415] {strides = array<i32>} : memref<20000xi32, #tpu.memory_space<vmem>>, vector<16xi32>,
      tpu.vector_store %arg14[%parallel_loop3A_415], %parallel_loop3A_414 {strides = array<i32>} : memref<20000xi32, #tpu.memory_space<vmem>>, vector<16xi32>,
    } {sc.loop_unroll_factor = 20 : i64, sc.parallel_access}
    "tpu.region"() ({
      %run_scoped3A = tpu.sem_alloc : memref<!tpu.dma_semaphore, #tpu.memory_space<semaphore_mem>>
      %dma_start3A_411 = tpu.memref_slice %arg8[%mul3A_4] : memref<640000xi32, #tpu.memory_space<hbm>> -> memref<20000xi32, #tpu.memory_space<hbm>>
      %dma_start3A_412 = tpu.memref_slice %arg8[%mul3A_4] : memref<640000xi32, #tpu.memory_space<hbm>> -> memref<20000xi32, #tpu.memory_space<hbm>>
      tpu.enqueue_dma source(%arg14 : memref<20000xi32, #tpu.memory_space<vmem>>) target(%dma_start3A_412 : memref<20000xi32, #tpu.memory_space<hbm>>) target_semaphore(%run_scoped3A : memref<!tpu.dma_semaphore, #tpu.memory_space<semaphore_mem>>)
      %dma_wait3A_413 = tpu.memref_slice %arg8[%mul3A_4] : memref<640000xi32, #tpu.memory_space<hbm>> -> memref<20000xi32, #tpu.memory_space<hbm>>
      %dma_wait3A_414 = tpu.memref_slice %arg8[%mul3A_4] : memref<640000xi32, #tpu.memory_space<hbm>> -> memref<20000xi32, #tpu.memory_space<hbm>>
      tpu.wait_dma2 semaphore(%run_scoped3A : memref<!tpu.dma_semaphore, #tpu.memory_space<semaphore_mem>>) src(%arg14 : memref<20000xi32, #tpu.memory_space<vmem>>) dst(%dma_wait3A_414 : memref<20000xi32, #tpu.memory_space<hbm>>)
      tpu.yield
    }) : () -> ()
    %dma_wait3A_311 = arith.constant 0 : i32
    %dma_wait3A_312 = arith.constant 0 : i32
    %dma_wait3A_313 = arith.constant 0 : i32
    %dma_wait3A_314 = tpu.memref_slice %arg10[%dma_wait3A_312, %dma_wait3A_313] : memref<320x128xf32, #tpu.memory_space<vmem>> -> memref<64x128xf32, #tpu.memory_space<vmem>>
    %dma_wait3A_315 = arith.constant 0 : i32
    %dma_wait3A_316 = tpu.memref_slice %arg9[%dma_wait3A_311, %dma_wait3A_315] : memref<5x64xi32, #tpu.memory_space<vmem>> -> memref<1x64xi32, #tpu.memory_space<vmem>>
    %dma_wait3A_317 = tpu.memref_squeeze %dma_wait3A_316 : memref<1x64xi32, #tpu.memory_space<vmem>> -> memref<64xi32, #tpu.memory_space<vmem>>
    %dma_wait3A_318 = arith.constant 0 : i32
    %dma_wait3A_319 = arith.constant 0 : i32
    %dma_wait3A_320 = tpu.memref_slice %arg6[%dma_wait3A_318, %dma_wait3A_319] : memref<10240x128xf32, #tpu.memory_space<hbm>> -> memref<10240x128xf32, #tpu.memory_space<hbm>>
    tpu.wait_indirect_dma semaphore(%arg15 : memref<!tpu.dma_semaphore, #tpu.memory_space<semaphore_mem>>) src(%dma_wait3A_314 : memref<64x128xf32, #tpu.memory_space<vmem>>) dst(%dma_wait3A_320 : memref<10240x128xf32, #tpu.memory_space<hbm>>)
    %dma_wait3A_321 = arith.constant 0 : i32
    %dma_wait3A_322 = arith.constant 0 : i32
    %dma_wait3A_323 = arith.constant 0 : i32
    %dma_wait3A_324 = tpu.memref_slice %arg11[%dma_wait3A_321, %dma_wait3A_323] : memref<5x64xi32, #tpu.memory_space<vmem>> -> memref<1x64xi32, #tpu.memory_space<vmem>>
    %dma_wait3A_325 = tpu.memref_squeeze %dma_wait3A_324 : memref<1x64xi32, #tpu.memory_space<vmem>> -> memref<64xi32, #tpu.memory_space<vmem>>
    %dma_wait3A_326 = arith.constant 0 : i32
    %dma_wait3A_327 = tpu.memref_slice %arg9[%dma_wait3A_322, %dma_wait3A_326] : memref<5x64xi32, #tpu.memory_space<vmem>> -> memref<1x64xi32, #tpu.memory_space<vmem>>
    %dma_wait3A_328 = tpu.memref_squeeze %dma_wait3A_327 : memref<1x64xi32, #tpu.memory_space<vmem>> -> memref<64xi32, #tpu.memory_space<vmem>>
    %dma_wait3A_329 = arith.constant 0 : i32
    %dma_wait3A_330 = tpu.memref_slice %arg7[%dma_wait3A_329] : memref<10240xi32, #tpu.memory_space<hbm>> -> memref<10240xi32, #tpu.memory_space<hbm>>
    tpu.wait_indirect_dma semaphore(%arg16 : memref<!tpu.dma_semaphore, #tpu.memory_space<semaphore_mem>>) src(%dma_wait3A_325 : memref<64xi32, #tpu.memory_space<vmem>>) dst(%dma_wait3A_330 : memref<10240xi32, #tpu.memory_space<hbm>>)
    %dma_wait3A_331 = arith.constant 1 : i32
    %dma_wait3A_332 = arith.constant 64 : i32
    %dma_wait3A_333 = arith.constant 0 : i32
    %dma_wait3A_334 = tpu.memref_slice %arg10[%dma_wait3A_332, %dma_wait3A_333] : memref<320x128xf32, #tpu.memory_space<vmem>> -> memref<64x128xf32, #tpu.memory_space<vmem>>
    %dma_wait3A_335 = arith.constant 0 : i32
    %dma_wait3A_336 = tpu.memref_slice %arg9[%dma_wait3A_331, %dma_wait3A_335] : memref<5x64xi32, #tpu.memory_space<vmem>> -> memref<1x64xi32, #tpu.memory_space<vmem>>
    %dma_wait3A_337 = tpu.memref_squeeze %dma_wait3A_336 : memref<1x64xi32, #tpu.memory_space<vmem>> -> memref<64xi32, #tpu.memory_space<vmem>>
    %dma_wait3A_338 = arith.constant 0 : i32
    %dma_wait3A_339 = arith.constant 0 : i32
    %dma_wait3A_340 = tpu.memref_slice %arg6[%dma_wait3A_338, %dma_wait3A_339] : memref<10240x128xf32, #tpu.memory_space<hbm>> -> memref<10240x128xf32, #tpu.memory_space<hbm>>
    tpu.wait_indirect_dma semaphore(%arg15 : memref<!tpu.dma_semaphore, #tpu.memory_space<semaphore_mem>>) src(%dma_wait3A_334 : memref<64x128xf32, #tpu.memory_space<vmem>>) dst(%dma_wait3A_340 : memref<10240x128xf32, #tpu.memory_space<hbm>>)
    %dma_wait3A_341 = arith.constant 1 : i32
    %dma_wait3A_342 = arith.constant 1 : i32
    %dma_wait3A_343 = arith.constant 0 : i32
    %dma_wait3A_344 = tpu.memref_slice %arg11[%dma_wait3A_341, %dma_wait3A_343] : memref<5x64xi32, #tpu.memory_space<vmem>> -> memref<1x64xi32, #tpu.memory_space<vmem>>
    %dma_wait3A_345 = tpu.memref_squeeze %dma_wait3A_344 : memref<1x64xi32, #tpu.memory_space<vmem>> -> memref<64xi32, #tpu.memory_space<vmem>>
    %dma_wait3A_346 = arith.constant 0 : i32
    %dma_wait3A_347 = tpu.memref_slice %arg9[%dma_wait3A_342, %dma_wait3A_346] : memref<5x64xi32, #tpu.memory_space<vmem>> -> memref<1x64xi32, #tpu.memory_space<vmem>>
    %dma_wait3A_348 = tpu.memref_squeeze %dma_wait3A_347 : memref<1x64xi32, #tpu.memory_space<vmem>> -> memref<64xi32, #tpu.memory_space<vmem>>
    %dma_wait3A_349 = arith.constant 0 : i32
    %dma_wait3A_350 = tpu.memref_slice %arg7[%dma_wait3A_349] : memref<10240xi32, #tpu.memory_space<hbm>> -> memref<10240xi32, #tpu.memory_space<hbm>>
    tpu.wait_indirect_dma semaphore(%arg16 : memref<!tpu.dma_semaphore, #tpu.memory_space<semaphore_mem>>) src(%dma_wait3A_345 : memref<64xi32, #tpu.memory_space<vmem>>) dst(%dma_wait3A_350 : memref<10240xi32, #tpu.memory_space<hbm>>)
    %dma_wait3A_351 = arith.constant 2 : i32
    %dma_wait3A_352 = arith.constant 128 : i32
    %dma_wait3A_353 = arith.constant 0 : i32
    %dma_wait3A_354 = tpu.memref_slice %arg10[%dma_wait3A_352, %dma_wait3A_353] : memref<320x128xf32, #tpu.memory_space<vmem>> -> memref<64x128xf32, #tpu.memory_space<vmem>>
    %dma_wait3A_355 = arith.constant 0 : i32
    %dma_wait3A_356 = tpu.memref_slice %arg9[%dma_wait3A_351, %dma_wait3A_355] : memref<5x64xi32, #tpu.memory_space<vmem>> -> memref<1x64xi32, #tpu.memory_space<vmem>>
    %dma_wait3A_357 = tpu.memref_squeeze %dma_wait3A_356 : memref<1x64xi32, #tpu.memory_space<vmem>> -> memref<64xi32, #tpu.memory_space<vmem>>
    %dma_wait3A_358 = arith.constant 0 : i32
    %dma_wait3A_359 = arith.constant 0 : i32
    %dma_wait3A_360 = tpu.memref_slice %arg6[%dma_wait3A_358, %dma_wait3A_359] : memref<10240x128xf32, #tpu.memory_space<hbm>> -> memref<10240x128xf32, #tpu.memory_space<hbm>>
    tpu.wait_indirect_dma semaphore(%arg15 : memref<!tpu.dma_semaphore, #tpu.memory_space<semaphore_mem>>) src(%dma_wait3A_354 : memref<64x128xf32, #tpu.memory_space<vmem>>) dst(%dma_wait3A_360 : memref<10240x128xf32, #tpu.memory_space<hbm>>)
    %dma_wait3A_361 = arith.constant 2 : i32
    %dma_wait3A_362 = arith.constant 2 : i32
    %dma_wait3A_363 = arith.constant 0 : i32
    %dma_wait3A_364 = tpu.memref_slice %arg11[%dma_wait3A_361, %dma_wait3A_363] : memref<5x64xi32, #tpu.memory_space<vmem>> -> memref<1x64xi32, #tpu.memory_space<vmem>>
    %dma_wait3A_365 = tpu.memref_squeeze %dma_wait3A_364 : memref<1x64xi32, #tpu.memory_space<vmem>> -> memref<64xi32, #tpu.memory_space<vmem>>
    %dma_wait3A_366 = arith.constant 0 : i32
    %dma_wait3A_367 = tpu.memref_slice %arg9[%dma_wait3A_362, %dma_wait3A_366] : memref<5x64xi32, #tpu.memory_space<vmem>> -> memref<1x64xi32, #tpu.memory_space<vmem>>
    %dma_wait3A_368 = tpu.memref_squeeze %dma_wait3A_367 : memref<1x64xi32, #tpu.memory_space<vmem>> -> memref<64xi32, #tpu.memory_space<vmem>>
    %dma_wait3A_369 = arith.constant 0 : i32
    %dma_wait3A_370 = tpu.memref_slice %arg7[%dma_wait3A_369] : memref<10240xi32, #tpu.memory_space<hbm>> -> memref<10240xi32, #tpu.memory_space<hbm>>
    tpu.wait_indirect_dma semaphore(%arg16 : memref<!tpu.dma_semaphore, #tpu.memory_space<semaphore_mem>>) src(%dma_wait3A_365 : memref<64xi32, #tpu.memory_space<vmem>>) dst(%dma_wait3A_370 : memref<10240xi32, #tpu.memory_space<hbm>>)
    %dma_wait3A_371 = arith.constant 3 : i32
    %dma_wait3A_372 = arith.constant 192 : i32
    %dma_wait3A_373 = arith.constant 0 : i32
    %dma_wait3A_374 = tpu.memref_slice %arg10[%dma_wait3A_372, %dma_wait3A_373] : memref<320x128xf32, #tpu.memory_space<vmem>> -> memref<64x128xf32, #tpu.memory_space<vmem>>
    %dma_wait3A_375 = arith.constant 0 : i32
    %dma_wait3A_376 = tpu.memref_slice %arg9[%dma_wait3A_371, %dma_wait3A_375] : memref<5x64xi32, #tpu.memory_space<vmem>> -> memref<1x64xi32, #tpu.memory_space<vmem>>
    %dma_wait3A_377 = tpu.memref_squeeze %dma_wait3A_376 : memref<1x64xi32, #tpu.memory_space<vmem>> -> memref<64xi32, #tpu.memory_space<vmem>>
    %dma_wait3A_378 = arith.constant 0 : i32
    %dma_wait3A_379 = arith.constant 0 : i32
    %dma_wait3A_380 = tpu.memref_slice %arg6[%dma_wait3A_378, %dma_wait3A_379] : memref<10240x128xf32, #tpu.memory_space<hbm>> -> memref<10240x128xf32, #tpu.memory_space<hbm>>
    tpu.wait_indirect_dma semaphore(%arg15 : memref<!tpu.dma_semaphore, #tpu.memory_space<semaphore_mem>>) src(%dma_wait3A_374 : memref<64x128xf32, #tpu.memory_space<vmem>>) dst(%dma_wait3A_380 : memref<10240x128xf32, #tpu.memory_space<hbm>>)
    %dma_wait3A_381 = arith.constant 3 : i32
    %dma_wait3A_382 = arith.constant 3 : i32
    %dma_wait3A_383 = arith.constant 0 : i32
    %dma_wait3A_384 = tpu.memref_slice %arg11[%dma_wait3A_381, %dma_wait3A_383] : memref<5x64xi32, #tpu.memory_space<vmem>> -> memref<1x64xi32, #tpu.memory_space<vmem>>
    %dma_wait3A_385 = tpu.memref_squeeze %dma_wait3A_384 : memref<1x64xi32, #tpu.memory_space<vmem>> -> memref<64xi32, #tpu.memory_space<vmem>>
    %dma_wait3A_386 = arith.constant 0 : i32
    %dma_wait3A_387 = tpu.memref_slice %arg9[%dma_wait3A_382, %dma_wait3A_386] : memref<5x64xi32, #tpu.memory_space<vmem>> -> memref<1x64xi32, #tpu.memory_space<vmem>>
    %dma_wait3A_388 = tpu.memref_squeeze %dma_wait3A_387 : memref<1x64xi32, #tpu.memory_space<vmem>> -> memref<64xi32, #tpu.memory_space<vmem>>
    %dma_wait3A_389 = arith.constant 0 : i32
    %dma_wait3A_390 = tpu.memref_slice %arg7[%dma_wait3A_389] : memref<10240xi32, #tpu.memory_space<hbm>> -> memref<10240xi32, #tpu.memory_space<hbm>>
    tpu.wait_indirect_dma semaphore(%arg16 : memref<!tpu.dma_semaphore, #tpu.memory_space<semaphore_mem>>) src(%dma_wait3A_385 : memref<64xi32, #tpu.memory_space<vmem>>) dst(%dma_wait3A_390 : memref<10240xi32, #tpu.memory_space<hbm>>)
    %dma_wait3A_391 = arith.constant 4 : i32
    %dma_wait3A_392 = arith.constant 256 : i32
    %dma_wait3A_393 = arith.constant 0 : i32
    %dma_wait3A_394 = tpu.memref_slice %arg10[%dma_wait3A_392, %dma_wait3A_393] : memref<320x128xf32, #tpu.memory_space<vmem>> -> memref<64x128xf32, #tpu.memory_space<vmem>>
    %dma_wait3A_395 = arith.constant 0 : i32
    %dma_wait3A_396 = tpu.memref_slice %arg9[%dma_wait3A_391, %dma_wait3A_395] : memref<5x64xi32, #tpu.memory_space<vmem>> -> memref<1x64xi32, #tpu.memory_space<vmem>>
    %dma_wait3A_397 = tpu.memref_squeeze %dma_wait3A_396 : memref<1x64xi32, #tpu.memory_space<vmem>> -> memref<64xi32, #tpu.memory_space<vmem>>
    %dma_wait3A_398 = arith.constant 0 : i32
    %dma_wait3A_399 = arith.constant 0 : i32
    %dma_wait3A_400 = tpu.memref_slice %arg6[%dma_wait3A_398, %dma_wait3A_399] : memref<10240x128xf32, #tpu.memory_space<hbm>> -> memref<10240x128xf32, #tpu.memory_space<hbm>>
    tpu.wait_indirect_dma semaphore(%arg15 : memref<!tpu.dma_semaphore, #tpu.memory_space<semaphore_mem>>) src(%dma_wait3A_394 : memref<64x128xf32, #tpu.memory_space<vmem>>) dst(%dma_wait3A_400 : memref<10240x128xf32, #tpu.memory_space<hbm>>)
    %dma_wait3A_401 = arith.constant 4 : i32
    %dma_wait3A_402 = arith.constant 4 : i32
    %dma_wait3A_403 = arith.constant 0 : i32
    %dma_wait3A_404 = tpu.memref_slice %arg11[%dma_wait3A_401, %dma_wait3A_403] : memref<5x64xi32, #tpu.memory_space<vmem>> -> memref<1x64xi32, #tpu.memory_space<vmem>>
    %dma_wait3A_405 = tpu.memref_squeeze %dma_wait3A_404 : memref<1x64xi32, #tpu.memory_space<vmem>> -> memref<64xi32, #tpu.memory_space<vmem>>
    %dma_wait3A_406 = arith.constant 0 : i32
    %dma_wait3A_407 = tpu.memref_slice %arg9[%dma_wait3A_402, %dma_wait3A_406] : memref<5x64xi32, #tpu.memory_space<vmem>> -> memref<1x64xi32, #tpu.memory_space<vmem>>
    %dma_wait3A_408 = tpu.memref_squeeze %dma_wait3A_407 : memref<1x64xi32, #tpu.memory_space<vmem>> -> memref<64xi32, #tpu.memory_space<vmem>>
    %dma_wait3A_409 = arith.constant 0 : i32
    %dma_wait3A_410 = tpu.memref_slice %arg7[%dma_wait3A_409] : memref<10240xi32, #tpu.memory_space<hbm>> -> memref<10240xi32, #tpu.memory_space<hbm>>
    tpu.wait_indirect_dma semaphore(%arg16 : memref<!tpu.dma_semaphore, #tpu.memory_space<semaphore_mem>>) src(%dma_wait3A_405 : memref<64xi32, #tpu.memory_space<vmem>>) dst(%dma_wait3A_410 : memref<10240xi32, #tpu.memory_space<hbm>>)
    return
  }
}

module attributes {stable_mosaic.version = 14 : i64} {
  func.func @_score_body(%arg0: i32, %arg1: memref<1000x128xf32, #tpu.memory_space<vmem>>, %arg2: memref<1x128xf32, #tpu.memory_space<vmem>>, %arg3: memref<1x1xf32, #tpu.memory_space<vmem>>, %arg4: memref<1x1xf32, #tpu.memory_space<vmem>>, %arg5: memref<1000x1xf32, #tpu.memory_space<vmem>>, %arg6: memref<1000x1xi32, #tpu.memory_space<vmem>>, %arg7: memref<1000x128xf32, #tpu.memory_space<vmem>>) attributes {dimension_semantics = [#tpu.dimension_semantics<arbitrary>], iteration_bounds = array<i64: 10>, scalar_prefetch = 0 : i64, scratch_operands = 0 : i64, tpu.core_type = #tpu.core_type<tc>, window_params = [{transform_indices = @transform_0, window_bounds = array<i64: 1000, 128>}, {pipeline_mode = #tpu.pipeline_mode<synchronous>, transform_indices = @transform_1, window_bounds = array<i64: 1, 128>}, {pipeline_mode = #tpu.pipeline_mode<synchronous>, transform_indices = @transform_2, window_bounds = array<i64: 1, 1>}, {pipeline_mode = #tpu.pipeline_mode<synchronous>, transform_indices = @transform_3, window_bounds = array<i64: 1, 1>}, {transform_indices = @transform_4, window_bounds = array<i64: 1000, 1>}, {transform_indices = @transform_5, window_bounds = array<i64: 1000, 1>}, {transform_indices = @transform_6, window_bounds = array<i64: 1000, 128>}]} {
    %get3A = arith.constant 0 : index
    %get3A_0 = arith.constant 0 : index
    %get3A_1 = vector.load %arg1[%get3A, %get3A_0] : memref<1000x128xf32, #tpu.memory_space<vmem>>, vector<1000x128xf32>
    %get3A_2 = arith.constant 0 : index
    %get3A_3 = arith.constant 0 : index
    %get3A_4 = vector.load %arg2[%get3A_2, %get3A_3] : memref<1x128xf32, #tpu.memory_space<vmem>>, vector<1x128xf32>
    %broadcast_in_dim3A = vector.shape_cast %get3A_4 : vector<1x128xf32> to vector<1x128xf32>
    %broadcast_in_dim3A_5 = vector.broadcast %broadcast_in_dim3A : vector<1x128xf32> to vector<128x128xf32>
    %dot_general3A = arith.constant dense<0.000000e+00> : vector<1000x128xf32>
    %dot_general3A_6 = tpu.matmul %get3A_1, %broadcast_in_dim3A_5, %dot_general3A {dimension_numbers = #tpu.dot_dimension_numbers<[1], [1], [0], [0], [0, 0, 1, 0], [], []>, transpose_lhs_hint = false} : vector<1000x128xf32>, vector<128x128xf32>, vector<1000x128xf32> -> vector<1000x128xf32>
    %slice3A = vector.extract_strided_slice %dot_general3A_6 {offsets = [0, 0], sizes = [1000, 1], strides = [1, 1]} : vector<1000x128xf32> to vector<1000x1xf32>
    %get3A_7 = arith.constant 0 : index
    %get3A_8 = arith.constant 0 : index
    %get3A_9 = vector.load %arg3[%get3A_7, %get3A_8] : memref<1x1xf32, #tpu.memory_space<vmem>>, vector<1x1xf32>
    %get3A_10 = vector.extract %get3A_9[0, 0] : f32 from vector<1x1xf32>
    %add3A = vector.broadcast %get3A_10 : f32 to vector<1000x1xf32>
    %add3A_11 = arith.addf %slice3A, %add3A : vector<1000x1xf32>
    %get3A_12 = arith.constant 0 : index
    %get3A_13 = arith.constant 0 : index
    %get3A_14 = vector.load %arg4[%get3A_12, %get3A_13] : memref<1x1xf32, #tpu.memory_space<vmem>>, vector<1x1xf32>
    %get3A_15 = vector.extract %get3A_14[0, 0] : f32 from vector<1x1xf32>
    %div3A = vector.broadcast %get3A_15 : f32 to vector<1000x1xf32>
    %div3A_16 = arith.divf %add3A_11, %div3A : vector<1000x1xf32>
    %swap3A = arith.constant 0 : index
    %swap3A_17 = arith.constant 0 : index
    %swap3A_18 = vector.load %arg5[%swap3A, %swap3A_17] : memref<1000x1xf32, #tpu.memory_space<vmem>>, vector<1000x1xf32>
    tpu.vector_store %arg5[%swap3A, %swap3A_17], %div3A_16 {strides = array<i32>} : memref<1000x1xf32, #tpu.memory_space<vmem>>, vector<1000x1xf32>,
    %bitcast_convert_type3A = tpu.bitcast %div3A_16 : vector<1000x1xf32> -> vector<1000x1xi32>
    %ge3A = arith.constant 0 : i32
    %ge3A_19 = vector.broadcast %ge3A : i32 to vector<1000x1xi32>
    %ge3A_20 = arith.cmpi sge, %bitcast_convert_type3A, %ge3A_19 : vector<1000x1xi32>
    %sub3A = arith.constant -2147483648 : i32
    %sub3A_21 = vector.broadcast %sub3A : i32 to vector<1000x1xi32>
    %sub3A_22 = arith.subi %sub3A_21, %bitcast_convert_type3A : vector<1000x1xi32>
    %select_n3A = arith.select %ge3A_20, %bitcast_convert_type3A, %sub3A_22 : vector<1000x1xi1>, vector<1000x1xi32>
    %swap3A_23 = arith.constant 0 : index
    %swap3A_24 = arith.constant 0 : index
    %swap3A_25 = vector.load %arg6[%swap3A_23, %swap3A_24] : memref<1000x1xi32, #tpu.memory_space<vmem>>, vector<1000x1xi32>
    tpu.vector_store %arg6[%swap3A_23, %swap3A_24], %select_n3A {strides = array<i32>} : memref<1000x1xi32, #tpu.memory_space<vmem>>, vector<1000x1xi32>,
    %tanh3A = math.tanh %div3A_16 : vector<1000x1xf32>
    %mul3A = vector.broadcast %tanh3A : vector<1000x1xf32> to vector<1000x128xf32>
    %mul3A_26 = arith.mulf %get3A_1, %mul3A : vector<1000x128xf32>
    %swap3A_27 = arith.constant 0 : index
    %swap3A_28 = arith.constant 0 : index
    %swap3A_29 = vector.load %arg7[%swap3A_27, %swap3A_28] : memref<1000x128xf32, #tpu.memory_space<vmem>>, vector<1000x128xf32>
    tpu.vector_store %arg7[%swap3A_27, %swap3A_28], %mul3A_26 {strides = array<i32>} : memref<1000x128xf32, #tpu.memory_space<vmem>>, vector<1000x128xf32>,
    return
  }
  func.func @transform_0(%arg0: i32) -> (i32, i32) {
    %c0_i32 = arith.constant 0 : i32
    %c0_i32_0 = arith.constant 0 : i32
    return %arg0, %c0_i32 : i32, i32
  }
  func.func @transform_1(%arg0: i32) -> (i32, i32) {
    %c0_i32 = arith.constant 0 : i32
    %c0_i32_0 = arith.constant 0 : i32
    %c0_i32_1 = arith.constant 0 : i32
    return %c0_i32, %c0_i32_0 : i32, i32
  }
  func.func @transform_2(%arg0: i32) -> (i32, i32) {
    %c0_i32 = arith.constant 0 : i32
    %c0_i32_0 = arith.constant 0 : i32
    %c0_i32_1 = arith.constant 0 : i32
    return %c0_i32, %c0_i32_0 : i32, i32
  }
  func.func @transform_3(%arg0: i32) -> (i32, i32) {
    %c0_i32 = arith.constant 0 : i32
    %c0_i32_0 = arith.constant 0 : i32
    %c0_i32_1 = arith.constant 0 : i32
    return %c0_i32, %c0_i32_0 : i32, i32
  }
  func.func @transform_4(%arg0: i32) -> (i32, i32) {
    %c0_i32 = arith.constant 0 : i32
    %c0_i32_0 = arith.constant 0 : i32
    return %arg0, %c0_i32 : i32, i32
  }
  func.func @transform_5(%arg0: i32) -> (i32, i32) {
    %c0_i32 = arith.constant 0 : i32
    %c0_i32_0 = arith.constant 0 : i32
    return %arg0, %c0_i32 : i32, i32
  }
  func.func @transform_6(%arg0: i32) -> (i32, i32) {
    %c0_i32 = arith.constant 0 : i32
    %c0_i32_0 = arith.constant 0 : i32
    return %arg0, %c0_i32 : i32, i32
  }
}

module attributes {stable_mosaic.version = 14 : i64} {
  func.func @_rank_body(%arg0: i32, %arg1: memref<10240x1xi32, #tpu.memory_space<vmem>>, %arg2: memref<80x128xi32, #tpu.memory_space<vmem>>, %arg3: memref<256x1xi32, #tpu.memory_space<vmem>>) attributes {dimension_semantics = [#tpu.dimension_semantics<arbitrary>], iteration_bounds = array<i64: 40>, scalar_prefetch = 0 : i64, scratch_operands = 0 : i64, tpu.core_type = #tpu.core_type<tc>, window_params = [{pipeline_mode = #tpu.pipeline_mode<synchronous>, transform_indices = @transform_0, window_bounds = array<i64: 10240, 1>}, {pipeline_mode = #tpu.pipeline_mode<synchronous>, transform_indices = @transform_1, window_bounds = array<i64: 80, 128>}, {transform_indices = @transform_2, window_bounds = array<i64: 256, 1>}]} {
    %mul3A = arith.constant 256 : i32
    %mul3A_0 = arith.muli %arg0, %mul3A : i32
    %get3A = arith.index_cast %mul3A_0 : i32 to index
    %get3A_1 = arith.constant 0 : index
    %get3A_2 = vector.load %arg1[%get3A, %get3A_1] : memref<10240x1xi32, #tpu.memory_space<vmem>>, vector<256x1xi32>
    %mul3A_3 = arith.constant 2 : i32
    %mul3A_4 = arith.muli %arg0, %mul3A_3 : i32
    %broadcast_in_dim3A = arith.constant 0 : i32
    %broadcast_in_dim3A_5 = vector.broadcast %broadcast_in_dim3A : i32 to vector<256x128xi32>
    %jit3A = arith.constant 8 : i32
    %div3A = arith.divsi %mul3A_4, %jit3A : i32
    %sign3A = arith.constant 0 : i32
    %sign3A_6 = arith.cmpi sgt, %mul3A_4, %sign3A : i32
    %sign3A_7 = arith.extui %sign3A_6 : i1 to i32
    %sign3A_8 = arith.constant 0 : i32
    %sign3A_9 = arith.cmpi slt, %mul3A_4, %sign3A_8 : i32
    %sign3A_10 = arith.extui %sign3A_9 : i1 to i32
    %sign3A_11 = arith.subi %sign3A_7, %sign3A_10 : i32
    %sign3A_12 = arith.constant 0 : i32
    %sign3A_13 = arith.cmpi sgt, %jit3A, %sign3A_12 : i32
    %sign3A_14 = arith.extui %sign3A_13 : i1 to i32
    %sign3A_15 = arith.constant 0 : i32
    %sign3A_16 = arith.cmpi slt, %jit3A, %sign3A_15 : i32
    %sign3A_17 = arith.extui %sign3A_16 : i1 to i32
    %sign3A_18 = arith.subi %sign3A_14, %sign3A_17 : i32
    %ne3A = arith.cmpi ne, %sign3A_11, %sign3A_18 : i32
    %rem3A = arith.remsi %mul3A_4, %jit3A : i32
    %ne3A_19 = arith.constant 0 : i32
    %ne3A_20 = arith.cmpi ne, %rem3A, %ne3A_19 : i32
    %and3A = arith.andi %ne3A, %ne3A_20 : i1
    %sub3A = arith.constant 1 : i32
    %sub3A_21 = arith.subi %div3A, %sub3A : i32
    %select_n3A = arith.select %and3A, %sub3A_21, %div3A : i32
    %while3A = arith.constant 0 : i32
    %while3A_22 = arith.subi %select_n3A, %while3A : i32
    %while3A_23 = arith.addi %while3A, %while3A_22 : i32
    %while3A_24 = arith.constant 1 : i32
    %while3A_25 = arith.divsi %while3A_22, %while3A_24 : i32
    %while3A_26 = arith.muli %while3A_25, %while3A_24 : i32
    %while3A_27 = arith.addi %while3A, %while3A_26 : i32
    %while3A_28 = arith.constant 1 : i32
    %while3A_29 = scf.for %while3A_136 = %while3A to %while3A_27 step %while3A_28 iter_args(%while3A_137 = %broadcast_in_dim3A_5) -> (vector<256x128xi32>)  : i32 {
      %mul3A_138 = arith.constant 8 : i32
      %mul3A_139 = arith.muli %while3A_136, %mul3A_138 : i32
      %add3A_140 = arith.constant 0 : i32
      %add3A_141 = arith.addi %mul3A_139, %add3A_140 : i32
      %get3A_142 = arith.index_cast %add3A_141 : i32 to index
      %get3A_143 = arith.constant 0 : index
      %get3A_144 = vector.load %arg2[%get3A_142, %get3A_143] : memref<80x128xi32, #tpu.memory_space<vmem>>, vector<1x128xi32>
      %ge3A = vector.broadcast %get3A_144 : vector<1x128xi32> to vector<256x128xi32>
      %ge3A_145 = vector.broadcast %get3A_2 : vector<256x1xi32> to vector<256x128xi32>
      %ge3A_146 = arith.cmpi sge, %ge3A, %ge3A_145 : vector<256x128xi32>
      %convert_element_type3A_147 = arith.extui %ge3A_146 : vector<256x128xi1> to vector<256x128xi32>
      %add3A_148 = arith.addi %while3A_137, %convert_element_type3A_147 : vector<256x128xi32>
      %mul3A_149 = arith.constant 8 : i32
      %mul3A_150 = arith.muli %while3A_136, %mul3A_149 : i32
      %add3A_151 = arith.constant 1 : i32
      %add3A_152 = arith.addi %mul3A_150, %add3A_151 : i32
      %get3A_153 = arith.index_cast %add3A_152 : i32 to index
      %get3A_154 = arith.constant 0 : index
      %get3A_155 = vector.load %arg2[%get3A_153, %get3A_154] : memref<80x128xi32, #tpu.memory_space<vmem>>, vector<1x128xi32>
      %ge3A_156 = vector.broadcast %get3A_155 : vector<1x128xi32> to vector<256x128xi32>
      %ge3A_157 = vector.broadcast %get3A_2 : vector<256x1xi32> to vector<256x128xi32>
      %ge3A_158 = arith.cmpi sge, %ge3A_156, %ge3A_157 : vector<256x128xi32>
      %convert_element_type3A_159 = arith.extui %ge3A_158 : vector<256x128xi1> to vector<256x128xi32>
      %add3A_160 = arith.addi %add3A_148, %convert_element_type3A_159 : vector<256x128xi32>
      %mul3A_161 = arith.constant 8 : i32
      %mul3A_162 = arith.muli %while3A_136, %mul3A_161 : i32
      %add3A_163 = arith.constant 2 : i32
      %add3A_164 = arith.addi %mul3A_162, %add3A_163 : i32
      %get3A_165 = arith.index_cast %add3A_164 : i32 to index
      %get3A_166 = arith.constant 0 : index
      %get3A_167 = vector.load %arg2[%get3A_165, %get3A_166] : memref<80x128xi32, #tpu.memory_space<vmem>>, vector<1x128xi32>
      %ge3A_168 = vector.broadcast %get3A_167 : vector<1x128xi32> to vector<256x128xi32>
      %ge3A_169 = vector.broadcast %get3A_2 : vector<256x1xi32> to vector<256x128xi32>
      %ge3A_170 = arith.cmpi sge, %ge3A_168, %ge3A_169 : vector<256x128xi32>
      %convert_element_type3A_171 = arith.extui %ge3A_170 : vector<256x128xi1> to vector<256x128xi32>
      %add3A_172 = arith.addi %add3A_160, %convert_element_type3A_171 : vector<256x128xi32>
      %mul3A_173 = arith.constant 8 : i32
      %mul3A_174 = arith.muli %while3A_136, %mul3A_173 : i32
      %add3A_175 = arith.constant 3 : i32
      %add3A_176 = arith.addi %mul3A_174, %add3A_175 : i32
      %get3A_177 = arith.index_cast %add3A_176 : i32 to index
      %get3A_178 = arith.constant 0 : index
      %get3A_179 = vector.load %arg2[%get3A_177, %get3A_178] : memref<80x128xi32, #tpu.memory_space<vmem>>, vector<1x128xi32>
      %ge3A_180 = vector.broadcast %get3A_179 : vector<1x128xi32> to vector<256x128xi32>
      %ge3A_181 = vector.broadcast %get3A_2 : vector<256x1xi32> to vector<256x128xi32>
      %ge3A_182 = arith.cmpi sge, %ge3A_180, %ge3A_181 : vector<256x128xi32>
      %convert_element_type3A_183 = arith.extui %ge3A_182 : vector<256x128xi1> to vector<256x128xi32>
      %add3A_184 = arith.addi %add3A_172, %convert_element_type3A_183 : vector<256x128xi32>
      %mul3A_185 = arith.constant 8 : i32
      %mul3A_186 = arith.muli %while3A_136, %mul3A_185 : i32
      %add3A_187 = arith.constant 4 : i32
      %add3A_188 = arith.addi %mul3A_186, %add3A_187 : i32
      %get3A_189 = arith.index_cast %add3A_188 : i32 to index
      %get3A_190 = arith.constant 0 : index
      %get3A_191 = vector.load %arg2[%get3A_189, %get3A_190] : memref<80x128xi32, #tpu.memory_space<vmem>>, vector<1x128xi32>
      %ge3A_192 = vector.broadcast %get3A_191 : vector<1x128xi32> to vector<256x128xi32>
      %ge3A_193 = vector.broadcast %get3A_2 : vector<256x1xi32> to vector<256x128xi32>
      %ge3A_194 = arith.cmpi sge, %ge3A_192, %ge3A_193 : vector<256x128xi32>
      %convert_element_type3A_195 = arith.extui %ge3A_194 : vector<256x128xi1> to vector<256x128xi32>
      %add3A_196 = arith.addi %add3A_184, %convert_element_type3A_195 : vector<256x128xi32>
      %mul3A_197 = arith.constant 8 : i32
      %mul3A_198 = arith.muli %while3A_136, %mul3A_197 : i32
      %add3A_199 = arith.constant 5 : i32
      %add3A_200 = arith.addi %mul3A_198, %add3A_199 : i32
      %get3A_201 = arith.index_cast %add3A_200 : i32 to index
      %get3A_202 = arith.constant 0 : index
      %get3A_203 = vector.load %arg2[%get3A_201, %get3A_202] : memref<80x128xi32, #tpu.memory_space<vmem>>, vector<1x128xi32>
      %ge3A_204 = vector.broadcast %get3A_203 : vector<1x128xi32> to vector<256x128xi32>
      %ge3A_205 = vector.broadcast %get3A_2 : vector<256x1xi32> to vector<256x128xi32>
      %ge3A_206 = arith.cmpi sge, %ge3A_204, %ge3A_205 : vector<256x128xi32>
      %convert_element_type3A_207 = arith.extui %ge3A_206 : vector<256x128xi1> to vector<256x128xi32>
      %add3A_208 = arith.addi %add3A_196, %convert_element_type3A_207 : vector<256x128xi32>
      %mul3A_209 = arith.constant 8 : i32
      %mul3A_210 = arith.muli %while3A_136, %mul3A_209 : i32
      %add3A_211 = arith.constant 6 : i32
      %add3A_212 = arith.addi %mul3A_210, %add3A_211 : i32
      %get3A_213 = arith.index_cast %add3A_212 : i32 to index
      %get3A_214 = arith.constant 0 : index
      %get3A_215 = vector.load %arg2[%get3A_213, %get3A_214] : memref<80x128xi32, #tpu.memory_space<vmem>>, vector<1x128xi32>
      %ge3A_216 = vector.broadcast %get3A_215 : vector<1x128xi32> to vector<256x128xi32>
      %ge3A_217 = vector.broadcast %get3A_2 : vector<256x1xi32> to vector<256x128xi32>
      %ge3A_218 = arith.cmpi sge, %ge3A_216, %ge3A_217 : vector<256x128xi32>
      %convert_element_type3A_219 = arith.extui %ge3A_218 : vector<256x128xi1> to vector<256x128xi32>
      %add3A_220 = arith.addi %add3A_208, %convert_element_type3A_219 : vector<256x128xi32>
      %mul3A_221 = arith.constant 8 : i32
      %mul3A_222 = arith.muli %while3A_136, %mul3A_221 : i32
      %add3A_223 = arith.constant 7 : i32
      %add3A_224 = arith.addi %mul3A_222, %add3A_223 : i32
      %get3A_225 = arith.index_cast %add3A_224 : i32 to index
      %get3A_226 = arith.constant 0 : index
      %get3A_227 = vector.load %arg2[%get3A_225, %get3A_226] : memref<80x128xi32, #tpu.memory_space<vmem>>, vector<1x128xi32>
      %ge3A_228 = vector.broadcast %get3A_227 : vector<1x128xi32> to vector<256x128xi32>
      %ge3A_229 = vector.broadcast %get3A_2 : vector<256x1xi32> to vector<256x128xi32>
      %ge3A_230 = arith.cmpi sge, %ge3A_228, %ge3A_229 : vector<256x128xi32>
      %convert_element_type3A_231 = arith.extui %ge3A_230 : vector<256x128xi1> to vector<256x128xi32>
      %add3A_232 = arith.addi %add3A_220, %convert_element_type3A_231 : vector<256x128xi32>
      scf.yield %add3A_232 : vector<256x128xi32>
    }
    %while3A_30 = arith.constant 1 : i32
    %while3A_31 = scf.for %while3A_136 = %while3A_27 to %while3A_23 step %while3A_30 iter_args(%while3A_137 = %while3A_29) -> (vector<256x128xi32>)  : i32 {
      %mul3A_138 = arith.constant 8 : i32
      %mul3A_139 = arith.muli %while3A_136, %mul3A_138 : i32
      %add3A_140 = arith.constant 0 : i32
      %add3A_141 = arith.addi %mul3A_139, %add3A_140 : i32
      %get3A_142 = arith.index_cast %add3A_141 : i32 to index
      %get3A_143 = arith.constant 0 : index
      %get3A_144 = vector.load %arg2[%get3A_142, %get3A_143] : memref<80x128xi32, #tpu.memory_space<vmem>>, vector<1x128xi32>
      %ge3A = vector.broadcast %get3A_144 : vector<1x128xi32> to vector<256x128xi32>
      %ge3A_145 = vector.broadcast %get3A_2 : vector<256x1xi32> to vector<256x128xi32>
      %ge3A_146 = arith.cmpi sge, %ge3A, %ge3A_145 : vector<256x128xi32>
      %convert_element_type3A_147 = arith.extui %ge3A_146 : vector<256x128xi1> to vector<256x128xi32>
      %add3A_148 = arith.addi %while3A_137, %convert_element_type3A_147 : vector<256x128xi32>
      %mul3A_149 = arith.constant 8 : i32
      %mul3A_150 = arith.muli %while3A_136, %mul3A_149 : i32
      %add3A_151 = arith.constant 1 : i32
      %add3A_152 = arith.addi %mul3A_150, %add3A_151 : i32
      %get3A_153 = arith.index_cast %add3A_152 : i32 to index
      %get3A_154 = arith.constant 0 : index
      %get3A_155 = vector.load %arg2[%get3A_153, %get3A_154] : memref<80x128xi32, #tpu.memory_space<vmem>>, vector<1x128xi32>
      %ge3A_156 = vector.broadcast %get3A_155 : vector<1x128xi32> to vector<256x128xi32>
      %ge3A_157 = vector.broadcast %get3A_2 : vector<256x1xi32> to vector<256x128xi32>
      %ge3A_158 = arith.cmpi sge, %ge3A_156, %ge3A_157 : vector<256x128xi32>
      %convert_element_type3A_159 = arith.extui %ge3A_158 : vector<256x128xi1> to vector<256x128xi32>
      %add3A_160 = arith.addi %add3A_148, %convert_element_type3A_159 : vector<256x128xi32>
      %mul3A_161 = arith.constant 8 : i32
      %mul3A_162 = arith.muli %while3A_136, %mul3A_161 : i32
      %add3A_163 = arith.constant 2 : i32
      %add3A_164 = arith.addi %mul3A_162, %add3A_163 : i32
      %get3A_165 = arith.index_cast %add3A_164 : i32 to index
      %get3A_166 = arith.constant 0 : index
      %get3A_167 = vector.load %arg2[%get3A_165, %get3A_166] : memref<80x128xi32, #tpu.memory_space<vmem>>, vector<1x128xi32>
      %ge3A_168 = vector.broadcast %get3A_167 : vector<1x128xi32> to vector<256x128xi32>
      %ge3A_169 = vector.broadcast %get3A_2 : vector<256x1xi32> to vector<256x128xi32>
      %ge3A_170 = arith.cmpi sge, %ge3A_168, %ge3A_169 : vector<256x128xi32>
      %convert_element_type3A_171 = arith.extui %ge3A_170 : vector<256x128xi1> to vector<256x128xi32>
      %add3A_172 = arith.addi %add3A_160, %convert_element_type3A_171 : vector<256x128xi32>
      %mul3A_173 = arith.constant 8 : i32
      %mul3A_174 = arith.muli %while3A_136, %mul3A_173 : i32
      %add3A_175 = arith.constant 3 : i32
      %add3A_176 = arith.addi %mul3A_174, %add3A_175 : i32
      %get3A_177 = arith.index_cast %add3A_176 : i32 to index
      %get3A_178 = arith.constant 0 : index
      %get3A_179 = vector.load %arg2[%get3A_177, %get3A_178] : memref<80x128xi32, #tpu.memory_space<vmem>>, vector<1x128xi32>
      %ge3A_180 = vector.broadcast %get3A_179 : vector<1x128xi32> to vector<256x128xi32>
      %ge3A_181 = vector.broadcast %get3A_2 : vector<256x1xi32> to vector<256x128xi32>
      %ge3A_182 = arith.cmpi sge, %ge3A_180, %ge3A_181 : vector<256x128xi32>
      %convert_element_type3A_183 = arith.extui %ge3A_182 : vector<256x128xi1> to vector<256x128xi32>
      %add3A_184 = arith.addi %add3A_172, %convert_element_type3A_183 : vector<256x128xi32>
      %mul3A_185 = arith.constant 8 : i32
      %mul3A_186 = arith.muli %while3A_136, %mul3A_185 : i32
      %add3A_187 = arith.constant 4 : i32
      %add3A_188 = arith.addi %mul3A_186, %add3A_187 : i32
      %get3A_189 = arith.index_cast %add3A_188 : i32 to index
      %get3A_190 = arith.constant 0 : index
      %get3A_191 = vector.load %arg2[%get3A_189, %get3A_190] : memref<80x128xi32, #tpu.memory_space<vmem>>, vector<1x128xi32>
      %ge3A_192 = vector.broadcast %get3A_191 : vector<1x128xi32> to vector<256x128xi32>
      %ge3A_193 = vector.broadcast %get3A_2 : vector<256x1xi32> to vector<256x128xi32>
      %ge3A_194 = arith.cmpi sge, %ge3A_192, %ge3A_193 : vector<256x128xi32>
      %convert_element_type3A_195 = arith.extui %ge3A_194 : vector<256x128xi1> to vector<256x128xi32>
      %add3A_196 = arith.addi %add3A_184, %convert_element_type3A_195 : vector<256x128xi32>
      %mul3A_197 = arith.constant 8 : i32
      %mul3A_198 = arith.muli %while3A_136, %mul3A_197 : i32
      %add3A_199 = arith.constant 5 : i32
      %add3A_200 = arith.addi %mul3A_198, %add3A_199 : i32
      %get3A_201 = arith.index_cast %add3A_200 : i32 to index
      %get3A_202 = arith.constant 0 : index
      %get3A_203 = vector.load %arg2[%get3A_201, %get3A_202] : memref<80x128xi32, #tpu.memory_space<vmem>>, vector<1x128xi32>
      %ge3A_204 = vector.broadcast %get3A_203 : vector<1x128xi32> to vector<256x128xi32>
      %ge3A_205 = vector.broadcast %get3A_2 : vector<256x1xi32> to vector<256x128xi32>
      %ge3A_206 = arith.cmpi sge, %ge3A_204, %ge3A_205 : vector<256x128xi32>
      %convert_element_type3A_207 = arith.extui %ge3A_206 : vector<256x128xi1> to vector<256x128xi32>
      %add3A_208 = arith.addi %add3A_196, %convert_element_type3A_207 : vector<256x128xi32>
      %mul3A_209 = arith.constant 8 : i32
      %mul3A_210 = arith.muli %while3A_136, %mul3A_209 : i32
      %add3A_211 = arith.constant 6 : i32
      %add3A_212 = arith.addi %mul3A_210, %add3A_211 : i32
      %get3A_213 = arith.index_cast %add3A_212 : i32 to index
      %get3A_214 = arith.constant 0 : index
      %get3A_215 = vector.load %arg2[%get3A_213, %get3A_214] : memref<80x128xi32, #tpu.memory_space<vmem>>, vector<1x128xi32>
      %ge3A_216 = vector.broadcast %get3A_215 : vector<1x128xi32> to vector<256x128xi32>
      %ge3A_217 = vector.broadcast %get3A_2 : vector<256x1xi32> to vector<256x128xi32>
      %ge3A_218 = arith.cmpi sge, %ge3A_216, %ge3A_217 : vector<256x128xi32>
      %convert_element_type3A_219 = arith.extui %ge3A_218 : vector<256x128xi1> to vector<256x128xi32>
      %add3A_220 = arith.addi %add3A_208, %convert_element_type3A_219 : vector<256x128xi32>
      %mul3A_221 = arith.constant 8 : i32
      %mul3A_222 = arith.muli %while3A_136, %mul3A_221 : i32
      %add3A_223 = arith.constant 7 : i32
      %add3A_224 = arith.addi %mul3A_222, %add3A_223 : i32
      %get3A_225 = arith.index_cast %add3A_224 : i32 to index
      %get3A_226 = arith.constant 0 : index
      %get3A_227 = vector.load %arg2[%get3A_225, %get3A_226] : memref<80x128xi32, #tpu.memory_space<vmem>>, vector<1x128xi32>
      %ge3A_228 = vector.broadcast %get3A_227 : vector<1x128xi32> to vector<256x128xi32>
      %ge3A_229 = vector.broadcast %get3A_2 : vector<256x1xi32> to vector<256x128xi32>
      %ge3A_230 = arith.cmpi sge, %ge3A_228, %ge3A_229 : vector<256x128xi32>
      %convert_element_type3A_231 = arith.extui %ge3A_230 : vector<256x128xi1> to vector<256x128xi32>
      %add3A_232 = arith.addi %add3A_220, %convert_element_type3A_231 : vector<256x128xi32>
      scf.yield %add3A_232 : vector<256x128xi32>
    }
    %mul3A_32 = arith.constant 8 : i32
    %mul3A_33 = arith.muli %select_n3A, %mul3A_32 : i32
    %while3A_34 = arith.subi %mul3A_4, %mul3A_33 : i32
    %while3A_35 = arith.addi %mul3A_33, %while3A_34 : i32
    %while3A_36 = arith.constant 1 : i32
    %while3A_37 = arith.divsi %while3A_34, %while3A_36 : i32
    %while3A_38 = arith.muli %while3A_37, %while3A_36 : i32
    %while3A_39 = arith.addi %mul3A_33, %while3A_38 : i32
    %while3A_40 = arith.constant 1 : i32
    %while3A_41 = scf.for %while3A_136 = %mul3A_33 to %while3A_39 step %while3A_40 iter_args(%while3A_137 = %while3A_31) -> (vector<256x128xi32>)  : i32 {
      %get3A_138 = arith.index_cast %while3A_136 : i32 to index
      %get3A_139 = arith.constant 0 : index
      %get3A_140 = vector.load %arg2[%get3A_138, %get3A_139] : memref<80x128xi32, #tpu.memory_space<vmem>>, vector<1x128xi32>
      %ge3A = vector.broadcast %get3A_140 : vector<1x128xi32> to vector<256x128xi32>
      %ge3A_141 = vector.broadcast %get3A_2 : vector<256x1xi32> to vector<256x128xi32>
      %ge3A_142 = arith.cmpi sge, %ge3A, %ge3A_141 : vector<256x128xi32>
      %convert_element_type3A_143 = arith.extui %ge3A_142 : vector<256x128xi1> to vector<256x128xi32>
      %add3A_144 = arith.addi %while3A_137, %convert_element_type3A_143 : vector<256x128xi32>
      scf.yield %add3A_144 : vector<256x128xi32>
    }
    %while3A_42 = arith.constant 1 : i32
    %while3A_43 = scf.for %while3A_136 = %while3A_39 to %while3A_35 step %while3A_42 iter_args(%while3A_137 = %while3A_41) -> (vector<256x128xi32>)  : i32 {
      %get3A_138 = arith.index_cast %while3A_136 : i32 to index
      %get3A_139 = arith.constant 0 : index
      %get3A_140 = vector.load %arg2[%get3A_138, %get3A_139] : memref<80x128xi32, #tpu.memory_space<vmem>>, vector<1x128xi32>
      %ge3A = vector.broadcast %get3A_140 : vector<1x128xi32> to vector<256x128xi32>
      %ge3A_141 = vector.broadcast %get3A_2 : vector<256x1xi32> to vector<256x128xi32>
      %ge3A_142 = arith.cmpi sge, %ge3A, %ge3A_141 : vector<256x128xi32>
      %convert_element_type3A_143 = arith.extui %ge3A_142 : vector<256x128xi1> to vector<256x128xi32>
      %add3A_144 = arith.addi %while3A_137, %convert_element_type3A_143 : vector<256x128xi32>
      scf.yield %add3A_144 : vector<256x128xi32>
    }
    %add3A = arith.constant 2 : i32
    %add3A_44 = arith.addi %mul3A_4, %add3A : i32
    %sub3A_45 = arith.constant 80 : i32
    %sub3A_46 = arith.subi %sub3A_45, %add3A_44 : i32
    %jit3A_47 = arith.constant 8 : i32
    %div3A_48 = arith.divsi %sub3A_46, %jit3A_47 : i32
    %sign3A_49 = arith.constant 0 : i32
    %sign3A_50 = arith.cmpi sgt, %sub3A_46, %sign3A_49 : i32
    %sign3A_51 = arith.extui %sign3A_50 : i1 to i32
    %sign3A_52 = arith.constant 0 : i32
    %sign3A_53 = arith.cmpi slt, %sub3A_46, %sign3A_52 : i32
    %sign3A_54 = arith.extui %sign3A_53 : i1 to i32
    %sign3A_55 = arith.subi %sign3A_51, %sign3A_54 : i32
    %sign3A_56 = arith.constant 0 : i32
    %sign3A_57 = arith.cmpi sgt, %jit3A_47, %sign3A_56 : i32
    %sign3A_58 = arith.extui %sign3A_57 : i1 to i32
    %sign3A_59 = arith.constant 0 : i32
    %sign3A_60 = arith.cmpi slt, %jit3A_47, %sign3A_59 : i32
    %sign3A_61 = arith.extui %sign3A_60 : i1 to i32
    %sign3A_62 = arith.subi %sign3A_58, %sign3A_61 : i32
    %ne3A_63 = arith.cmpi ne, %sign3A_55, %sign3A_62 : i32
    %rem3A_64 = arith.remsi %sub3A_46, %jit3A_47 : i32
    %ne3A_65 = arith.constant 0 : i32
    %ne3A_66 = arith.cmpi ne, %rem3A_64, %ne3A_65 : i32
    %and3A_67 = arith.andi %ne3A_63, %ne3A_66 : i1
    %sub3A_68 = arith.constant 1 : i32
    %sub3A_69 = arith.subi %div3A_48, %sub3A_68 : i32
    %select_n3A_70 = arith.select %and3A_67, %sub3A_69, %div3A_48 : i32
    %while3A_71 = arith.constant 0 : i32
    %while3A_72 = arith.subi %select_n3A_70, %while3A_71 : i32
    %while3A_73 = arith.addi %while3A_71, %while3A_72 : i32
    %while3A_74 = arith.constant 1 : i32
    %while3A_75 = arith.divsi %while3A_72, %while3A_74 : i32
    %while3A_76 = arith.muli %while3A_75, %while3A_74 : i32
    %while3A_77 = arith.addi %while3A_71, %while3A_76 : i32
    %while3A_78 = arith.constant 1 : i32
    %while3A_79 = scf.for %while3A_136 = %while3A_71 to %while3A_77 step %while3A_78 iter_args(%while3A_137 = %while3A_43) -> (vector<256x128xi32>)  : i32 {
      %add3A_138 = arith.constant 2 : i32
      %add3A_139 = arith.addi %mul3A_4, %add3A_138 : i32
      %mul3A_140 = arith.constant 8 : i32
      %mul3A_141 = arith.muli %while3A_136, %mul3A_140 : i32
      %add3A_142 = arith.addi %add3A_139, %mul3A_141 : i32
      %add3A_143 = arith.constant 0 : i32
      %add3A_144 = arith.addi %add3A_142, %add3A_143 : i32
      %get3A_145 = arith.index_cast %add3A_144 : i32 to index
      %get3A_146 = arith.constant 0 : index
      %get3A_147 = vector.load %arg2[%get3A_145, %get3A_146] : memref<80x128xi32, #tpu.memory_space<vmem>>, vector<1x128xi32>
      %gt3A_148 = vector.broadcast %get3A_147 : vector<1x128xi32> to vector<256x128xi32>
      %gt3A_149 = vector.broadcast %get3A_2 : vector<256x1xi32> to vector<256x128xi32>
      %gt3A_150 = arith.cmpi sgt, %gt3A_148, %gt3A_149 : vector<256x128xi32>
      %convert_element_type3A_151 = arith.extui %gt3A_150 : vector<256x128xi1> to vector<256x128xi32>
      %add3A_152 = arith.addi %while3A_137, %convert_element_type3A_151 : vector<256x128xi32>
      %add3A_153 = arith.constant 2 : i32
      %add3A_154 = arith.addi %mul3A_4, %add3A_153 : i32
      %mul3A_155 = arith.constant 8 : i32
      %mul3A_156 = arith.muli %while3A_136, %mul3A_155 : i32
      %add3A_157 = arith.addi %add3A_154, %mul3A_156 : i32
      %add3A_158 = arith.constant 1 : i32
      %add3A_159 = arith.addi %add3A_157, %add3A_158 : i32
      %get3A_160 = arith.index_cast %add3A_159 : i32 to index
      %get3A_161 = arith.constant 0 : index
      %get3A_162 = vector.load %arg2[%get3A_160, %get3A_161] : memref<80x128xi32, #tpu.memory_space<vmem>>, vector<1x128xi32>
      %gt3A_163 = vector.broadcast %get3A_162 : vector<1x128xi32> to vector<256x128xi32>
      %gt3A_164 = vector.broadcast %get3A_2 : vector<256x1xi32> to vector<256x128xi32>
      %gt3A_165 = arith.cmpi sgt, %gt3A_163, %gt3A_164 : vector<256x128xi32>
      %convert_element_type3A_166 = arith.extui %gt3A_165 : vector<256x128xi1> to vector<256x128xi32>
      %add3A_167 = arith.addi %add3A_152, %convert_element_type3A_166 : vector<256x128xi32>
      %add3A_168 = arith.constant 2 : i32
      %add3A_169 = arith.addi %mul3A_4, %add3A_168 : i32
      %mul3A_170 = arith.constant 8 : i32
      %mul3A_171 = arith.muli %while3A_136, %mul3A_170 : i32
      %add3A_172 = arith.addi %add3A_169, %mul3A_171 : i32
      %add3A_173 = arith.constant 2 : i32
      %add3A_174 = arith.addi %add3A_172, %add3A_173 : i32
      %get3A_175 = arith.index_cast %add3A_174 : i32 to index
      %get3A_176 = arith.constant 0 : index
      %get3A_177 = vector.load %arg2[%get3A_175, %get3A_176] : memref<80x128xi32, #tpu.memory_space<vmem>>, vector<1x128xi32>
      %gt3A_178 = vector.broadcast %get3A_177 : vector<1x128xi32> to vector<256x128xi32>
      %gt3A_179 = vector.broadcast %get3A_2 : vector<256x1xi32> to vector<256x128xi32>
      %gt3A_180 = arith.cmpi sgt, %gt3A_178, %gt3A_179 : vector<256x128xi32>
      %convert_element_type3A_181 = arith.extui %gt3A_180 : vector<256x128xi1> to vector<256x128xi32>
      %add3A_182 = arith.addi %add3A_167, %convert_element_type3A_181 : vector<256x128xi32>
      %add3A_183 = arith.constant 2 : i32
      %add3A_184 = arith.addi %mul3A_4, %add3A_183 : i32
      %mul3A_185 = arith.constant 8 : i32
      %mul3A_186 = arith.muli %while3A_136, %mul3A_185 : i32
      %add3A_187 = arith.addi %add3A_184, %mul3A_186 : i32
      %add3A_188 = arith.constant 3 : i32
      %add3A_189 = arith.addi %add3A_187, %add3A_188 : i32
      %get3A_190 = arith.index_cast %add3A_189 : i32 to index
      %get3A_191 = arith.constant 0 : index
      %get3A_192 = vector.load %arg2[%get3A_190, %get3A_191] : memref<80x128xi32, #tpu.memory_space<vmem>>, vector<1x128xi32>
      %gt3A_193 = vector.broadcast %get3A_192 : vector<1x128xi32> to vector<256x128xi32>
      %gt3A_194 = vector.broadcast %get3A_2 : vector<256x1xi32> to vector<256x128xi32>
      %gt3A_195 = arith.cmpi sgt, %gt3A_193, %gt3A_194 : vector<256x128xi32>
      %convert_element_type3A_196 = arith.extui %gt3A_195 : vector<256x128xi1> to vector<256x128xi32>
      %add3A_197 = arith.addi %add3A_182, %convert_element_type3A_196 : vector<256x128xi32>
      %add3A_198 = arith.constant 2 : i32
      %add3A_199 = arith.addi %mul3A_4, %add3A_198 : i32
      %mul3A_200 = arith.constant 8 : i32
      %mul3A_201 = arith.muli %while3A_136, %mul3A_200 : i32
      %add3A_202 = arith.addi %add3A_199, %mul3A_201 : i32
      %add3A_203 = arith.constant 4 : i32
      %add3A_204 = arith.addi %add3A_202, %add3A_203 : i32
      %get3A_205 = arith.index_cast %add3A_204 : i32 to index
      %get3A_206 = arith.constant 0 : index
      %get3A_207 = vector.load %arg2[%get3A_205, %get3A_206] : memref<80x128xi32, #tpu.memory_space<vmem>>, vector<1x128xi32>
      %gt3A_208 = vector.broadcast %get3A_207 : vector<1x128xi32> to vector<256x128xi32>
      %gt3A_209 = vector.broadcast %get3A_2 : vector<256x1xi32> to vector<256x128xi32>
      %gt3A_210 = arith.cmpi sgt, %gt3A_208, %gt3A_209 : vector<256x128xi32>
      %convert_element_type3A_211 = arith.extui %gt3A_210 : vector<256x128xi1> to vector<256x128xi32>
      %add3A_212 = arith.addi %add3A_197, %convert_element_type3A_211 : vector<256x128xi32>
      %add3A_213 = arith.constant 2 : i32
      %add3A_214 = arith.addi %mul3A_4, %add3A_213 : i32
      %mul3A_215 = arith.constant 8 : i32
      %mul3A_216 = arith.muli %while3A_136, %mul3A_215 : i32
      %add3A_217 = arith.addi %add3A_214, %mul3A_216 : i32
      %add3A_218 = arith.constant 5 : i32
      %add3A_219 = arith.addi %add3A_217, %add3A_218 : i32
      %get3A_220 = arith.index_cast %add3A_219 : i32 to index
      %get3A_221 = arith.constant 0 : index
      %get3A_222 = vector.load %arg2[%get3A_220, %get3A_221] : memref<80x128xi32, #tpu.memory_space<vmem>>, vector<1x128xi32>
      %gt3A_223 = vector.broadcast %get3A_222 : vector<1x128xi32> to vector<256x128xi32>
      %gt3A_224 = vector.broadcast %get3A_2 : vector<256x1xi32> to vector<256x128xi32>
      %gt3A_225 = arith.cmpi sgt, %gt3A_223, %gt3A_224 : vector<256x128xi32>
      %convert_element_type3A_226 = arith.extui %gt3A_225 : vector<256x128xi1> to vector<256x128xi32>
      %add3A_227 = arith.addi %add3A_212, %convert_element_type3A_226 : vector<256x128xi32>
      %add3A_228 = arith.constant 2 : i32
      %add3A_229 = arith.addi %mul3A_4, %add3A_228 : i32
      %mul3A_230 = arith.constant 8 : i32
      %mul3A_231 = arith.muli %while3A_136, %mul3A_230 : i32
      %add3A_232 = arith.addi %add3A_229, %mul3A_231 : i32
      %add3A_233 = arith.constant 6 : i32
      %add3A_234 = arith.addi %add3A_232, %add3A_233 : i32
      %get3A_235 = arith.index_cast %add3A_234 : i32 to index
      %get3A_236 = arith.constant 0 : index
      %get3A_237 = vector.load %arg2[%get3A_235, %get3A_236] : memref<80x128xi32, #tpu.memory_space<vmem>>, vector<1x128xi32>
      %gt3A_238 = vector.broadcast %get3A_237 : vector<1x128xi32> to vector<256x128xi32>
      %gt3A_239 = vector.broadcast %get3A_2 : vector<256x1xi32> to vector<256x128xi32>
      %gt3A_240 = arith.cmpi sgt, %gt3A_238, %gt3A_239 : vector<256x128xi32>
      %convert_element_type3A_241 = arith.extui %gt3A_240 : vector<256x128xi1> to vector<256x128xi32>
      %add3A_242 = arith.addi %add3A_227, %convert_element_type3A_241 : vector<256x128xi32>
      %add3A_243 = arith.constant 2 : i32
      %add3A_244 = arith.addi %mul3A_4, %add3A_243 : i32
      %mul3A_245 = arith.constant 8 : i32
      %mul3A_246 = arith.muli %while3A_136, %mul3A_245 : i32
      %add3A_247 = arith.addi %add3A_244, %mul3A_246 : i32
      %add3A_248 = arith.constant 7 : i32
      %add3A_249 = arith.addi %add3A_247, %add3A_248 : i32
      %get3A_250 = arith.index_cast %add3A_249 : i32 to index
      %get3A_251 = arith.constant 0 : index
      %get3A_252 = vector.load %arg2[%get3A_250, %get3A_251] : memref<80x128xi32, #tpu.memory_space<vmem>>, vector<1x128xi32>
      %gt3A_253 = vector.broadcast %get3A_252 : vector<1x128xi32> to vector<256x128xi32>
      %gt3A_254 = vector.broadcast %get3A_2 : vector<256x1xi32> to vector<256x128xi32>
      %gt3A_255 = arith.cmpi sgt, %gt3A_253, %gt3A_254 : vector<256x128xi32>
      %convert_element_type3A_256 = arith.extui %gt3A_255 : vector<256x128xi1> to vector<256x128xi32>
      %add3A_257 = arith.addi %add3A_242, %convert_element_type3A_256 : vector<256x128xi32>
      scf.yield %add3A_257 : vector<256x128xi32>
    }
    %while3A_80 = arith.constant 1 : i32
    %while3A_81 = scf.for %while3A_136 = %while3A_77 to %while3A_73 step %while3A_80 iter_args(%while3A_137 = %while3A_79) -> (vector<256x128xi32>)  : i32 {
      %add3A_138 = arith.constant 2 : i32
      %add3A_139 = arith.addi %mul3A_4, %add3A_138 : i32
      %mul3A_140 = arith.constant 8 : i32
      %mul3A_141 = arith.muli %while3A_136, %mul3A_140 : i32
      %add3A_142 = arith.addi %add3A_139, %mul3A_141 : i32
      %add3A_143 = arith.constant 0 : i32
      %add3A_144 = arith.addi %add3A_142, %add3A_143 : i32
      %get3A_145 = arith.index_cast %add3A_144 : i32 to index
      %get3A_146 = arith.constant 0 : index
      %get3A_147 = vector.load %arg2[%get3A_145, %get3A_146] : memref<80x128xi32, #tpu.memory_space<vmem>>, vector<1x128xi32>
      %gt3A_148 = vector.broadcast %get3A_147 : vector<1x128xi32> to vector<256x128xi32>
      %gt3A_149 = vector.broadcast %get3A_2 : vector<256x1xi32> to vector<256x128xi32>
      %gt3A_150 = arith.cmpi sgt, %gt3A_148, %gt3A_149 : vector<256x128xi32>
      %convert_element_type3A_151 = arith.extui %gt3A_150 : vector<256x128xi1> to vector<256x128xi32>
      %add3A_152 = arith.addi %while3A_137, %convert_element_type3A_151 : vector<256x128xi32>
      %add3A_153 = arith.constant 2 : i32
      %add3A_154 = arith.addi %mul3A_4, %add3A_153 : i32
      %mul3A_155 = arith.constant 8 : i32
      %mul3A_156 = arith.muli %while3A_136, %mul3A_155 : i32
      %add3A_157 = arith.addi %add3A_154, %mul3A_156 : i32
      %add3A_158 = arith.constant 1 : i32
      %add3A_159 = arith.addi %add3A_157, %add3A_158 : i32
      %get3A_160 = arith.index_cast %add3A_159 : i32 to index
      %get3A_161 = arith.constant 0 : index
      %get3A_162 = vector.load %arg2[%get3A_160, %get3A_161] : memref<80x128xi32, #tpu.memory_space<vmem>>, vector<1x128xi32>
      %gt3A_163 = vector.broadcast %get3A_162 : vector<1x128xi32> to vector<256x128xi32>
      %gt3A_164 = vector.broadcast %get3A_2 : vector<256x1xi32> to vector<256x128xi32>
      %gt3A_165 = arith.cmpi sgt, %gt3A_163, %gt3A_164 : vector<256x128xi32>
      %convert_element_type3A_166 = arith.extui %gt3A_165 : vector<256x128xi1> to vector<256x128xi32>
      %add3A_167 = arith.addi %add3A_152, %convert_element_type3A_166 : vector<256x128xi32>
      %add3A_168 = arith.constant 2 : i32
      %add3A_169 = arith.addi %mul3A_4, %add3A_168 : i32
      %mul3A_170 = arith.constant 8 : i32
      %mul3A_171 = arith.muli %while3A_136, %mul3A_170 : i32
      %add3A_172 = arith.addi %add3A_169, %mul3A_171 : i32
      %add3A_173 = arith.constant 2 : i32
      %add3A_174 = arith.addi %add3A_172, %add3A_173 : i32
      %get3A_175 = arith.index_cast %add3A_174 : i32 to index
      %get3A_176 = arith.constant 0 : index
      %get3A_177 = vector.load %arg2[%get3A_175, %get3A_176] : memref<80x128xi32, #tpu.memory_space<vmem>>, vector<1x128xi32>
      %gt3A_178 = vector.broadcast %get3A_177 : vector<1x128xi32> to vector<256x128xi32>
      %gt3A_179 = vector.broadcast %get3A_2 : vector<256x1xi32> to vector<256x128xi32>
      %gt3A_180 = arith.cmpi sgt, %gt3A_178, %gt3A_179 : vector<256x128xi32>
      %convert_element_type3A_181 = arith.extui %gt3A_180 : vector<256x128xi1> to vector<256x128xi32>
      %add3A_182 = arith.addi %add3A_167, %convert_element_type3A_181 : vector<256x128xi32>
      %add3A_183 = arith.constant 2 : i32
      %add3A_184 = arith.addi %mul3A_4, %add3A_183 : i32
      %mul3A_185 = arith.constant 8 : i32
      %mul3A_186 = arith.muli %while3A_136, %mul3A_185 : i32
      %add3A_187 = arith.addi %add3A_184, %mul3A_186 : i32
      %add3A_188 = arith.constant 3 : i32
      %add3A_189 = arith.addi %add3A_187, %add3A_188 : i32
      %get3A_190 = arith.index_cast %add3A_189 : i32 to index
      %get3A_191 = arith.constant 0 : index
      %get3A_192 = vector.load %arg2[%get3A_190, %get3A_191] : memref<80x128xi32, #tpu.memory_space<vmem>>, vector<1x128xi32>
      %gt3A_193 = vector.broadcast %get3A_192 : vector<1x128xi32> to vector<256x128xi32>
      %gt3A_194 = vector.broadcast %get3A_2 : vector<256x1xi32> to vector<256x128xi32>
      %gt3A_195 = arith.cmpi sgt, %gt3A_193, %gt3A_194 : vector<256x128xi32>
      %convert_element_type3A_196 = arith.extui %gt3A_195 : vector<256x128xi1> to vector<256x128xi32>
      %add3A_197 = arith.addi %add3A_182, %convert_element_type3A_196 : vector<256x128xi32>
      %add3A_198 = arith.constant 2 : i32
      %add3A_199 = arith.addi %mul3A_4, %add3A_198 : i32
      %mul3A_200 = arith.constant 8 : i32
      %mul3A_201 = arith.muli %while3A_136, %mul3A_200 : i32
      %add3A_202 = arith.addi %add3A_199, %mul3A_201 : i32
      %add3A_203 = arith.constant 4 : i32
      %add3A_204 = arith.addi %add3A_202, %add3A_203 : i32
      %get3A_205 = arith.index_cast %add3A_204 : i32 to index
      %get3A_206 = arith.constant 0 : index
      %get3A_207 = vector.load %arg2[%get3A_205, %get3A_206] : memref<80x128xi32, #tpu.memory_space<vmem>>, vector<1x128xi32>
      %gt3A_208 = vector.broadcast %get3A_207 : vector<1x128xi32> to vector<256x128xi32>
      %gt3A_209 = vector.broadcast %get3A_2 : vector<256x1xi32> to vector<256x128xi32>
      %gt3A_210 = arith.cmpi sgt, %gt3A_208, %gt3A_209 : vector<256x128xi32>
      %convert_element_type3A_211 = arith.extui %gt3A_210 : vector<256x128xi1> to vector<256x128xi32>
      %add3A_212 = arith.addi %add3A_197, %convert_element_type3A_211 : vector<256x128xi32>
      %add3A_213 = arith.constant 2 : i32
      %add3A_214 = arith.addi %mul3A_4, %add3A_213 : i32
      %mul3A_215 = arith.constant 8 : i32
      %mul3A_216 = arith.muli %while3A_136, %mul3A_215 : i32
      %add3A_217 = arith.addi %add3A_214, %mul3A_216 : i32
      %add3A_218 = arith.constant 5 : i32
      %add3A_219 = arith.addi %add3A_217, %add3A_218 : i32
      %get3A_220 = arith.index_cast %add3A_219 : i32 to index
      %get3A_221 = arith.constant 0 : index
      %get3A_222 = vector.load %arg2[%get3A_220, %get3A_221] : memref<80x128xi32, #tpu.memory_space<vmem>>, vector<1x128xi32>
      %gt3A_223 = vector.broadcast %get3A_222 : vector<1x128xi32> to vector<256x128xi32>
      %gt3A_224 = vector.broadcast %get3A_2 : vector<256x1xi32> to vector<256x128xi32>
      %gt3A_225 = arith.cmpi sgt, %gt3A_223, %gt3A_224 : vector<256x128xi32>
      %convert_element_type3A_226 = arith.extui %gt3A_225 : vector<256x128xi1> to vector<256x128xi32>
      %add3A_227 = arith.addi %add3A_212, %convert_element_type3A_226 : vector<256x128xi32>
      %add3A_228 = arith.constant 2 : i32
      %add3A_229 = arith.addi %mul3A_4, %add3A_228 : i32
      %mul3A_230 = arith.constant 8 : i32
      %mul3A_231 = arith.muli %while3A_136, %mul3A_230 : i32
      %add3A_232 = arith.addi %add3A_229, %mul3A_231 : i32
      %add3A_233 = arith.constant 6 : i32
      %add3A_234 = arith.addi %add3A_232, %add3A_233 : i32
      %get3A_235 = arith.index_cast %add3A_234 : i32 to index
      %get3A_236 = arith.constant 0 : index
      %get3A_237 = vector.load %arg2[%get3A_235, %get3A_236] : memref<80x128xi32, #tpu.memory_space<vmem>>, vector<1x128xi32>
      %gt3A_238 = vector.broadcast %get3A_237 : vector<1x128xi32> to vector<256x128xi32>
      %gt3A_239 = vector.broadcast %get3A_2 : vector<256x1xi32> to vector<256x128xi32>
      %gt3A_240 = arith.cmpi sgt, %gt3A_238, %gt3A_239 : vector<256x128xi32>
      %convert_element_type3A_241 = arith.extui %gt3A_240 : vector<256x128xi1> to vector<256x128xi32>
      %add3A_242 = arith.addi %add3A_227, %convert_element_type3A_241 : vector<256x128xi32>
      %add3A_243 = arith.constant 2 : i32
      %add3A_244 = arith.addi %mul3A_4, %add3A_243 : i32
      %mul3A_245 = arith.constant 8 : i32
      %mul3A_246 = arith.muli %while3A_136, %mul3A_245 : i32
      %add3A_247 = arith.addi %add3A_244, %mul3A_246 : i32
      %add3A_248 = arith.constant 7 : i32
      %add3A_249 = arith.addi %add3A_247, %add3A_248 : i32
      %get3A_250 = arith.index_cast %add3A_249 : i32 to index
      %get3A_251 = arith.constant 0 : index
      %get3A_252 = vector.load %arg2[%get3A_250, %get3A_251] : memref<80x128xi32, #tpu.memory_space<vmem>>, vector<1x128xi32>
      %gt3A_253 = vector.broadcast %get3A_252 : vector<1x128xi32> to vector<256x128xi32>
      %gt3A_254 = vector.broadcast %get3A_2 : vector<256x1xi32> to vector<256x128xi32>
      %gt3A_255 = arith.cmpi sgt, %gt3A_253, %gt3A_254 : vector<256x128xi32>
      %convert_element_type3A_256 = arith.extui %gt3A_255 : vector<256x128xi1> to vector<256x128xi32>
      %add3A_257 = arith.addi %add3A_242, %convert_element_type3A_256 : vector<256x128xi32>
      scf.yield %add3A_257 : vector<256x128xi32>
    }
    %add3A_82 = arith.constant 2 : i32
    %add3A_83 = arith.addi %mul3A_4, %add3A_82 : i32
    %mul3A_84 = arith.constant 8 : i32
    %mul3A_85 = arith.muli %select_n3A_70, %mul3A_84 : i32
    %add3A_86 = arith.addi %add3A_83, %mul3A_85 : i32
    %while3A_87 = arith.constant 80 : i32
    %while3A_88 = arith.subi %while3A_87, %add3A_86 : i32
    %while3A_89 = arith.addi %add3A_86, %while3A_88 : i32
    %while3A_90 = arith.constant 1 : i32
    %while3A_91 = arith.divsi %while3A_88, %while3A_90 : i32
    %while3A_92 = arith.muli %while3A_91, %while3A_90 : i32
    %while3A_93 = arith.addi %add3A_86, %while3A_92 : i32
    %while3A_94 = arith.constant 1 : i32
    %while3A_95 = scf.for %while3A_136 = %add3A_86 to %while3A_93 step %while3A_94 iter_args(%while3A_137 = %while3A_81) -> (vector<256x128xi32>)  : i32 {
      %get3A_138 = arith.index_cast %while3A_136 : i32 to index
      %get3A_139 = arith.constant 0 : index
      %get3A_140 = vector.load %arg2[%get3A_138, %get3A_139] : memref<80x128xi32, #tpu.memory_space<vmem>>, vector<1x128xi32>
      %gt3A_141 = vector.broadcast %get3A_140 : vector<1x128xi32> to vector<256x128xi32>
      %gt3A_142 = vector.broadcast %get3A_2 : vector<256x1xi32> to vector<256x128xi32>
      %gt3A_143 = arith.cmpi sgt, %gt3A_141, %gt3A_142 : vector<256x128xi32>
      %convert_element_type3A_144 = arith.extui %gt3A_143 : vector<256x128xi1> to vector<256x128xi32>
      %add3A_145 = arith.addi %while3A_137, %convert_element_type3A_144 : vector<256x128xi32>
      scf.yield %add3A_145 : vector<256x128xi32>
    }
    %while3A_96 = arith.constant 1 : i32
    %while3A_97 = scf.for %while3A_136 = %while3A_93 to %while3A_89 step %while3A_96 iter_args(%while3A_137 = %while3A_95) -> (vector<256x128xi32>)  : i32 {
      %get3A_138 = arith.index_cast %while3A_136 : i32 to index
      %get3A_139 = arith.constant 0 : index
      %get3A_140 = vector.load %arg2[%get3A_138, %get3A_139] : memref<80x128xi32, #tpu.memory_space<vmem>>, vector<1x128xi32>
      %gt3A_141 = vector.broadcast %get3A_140 : vector<1x128xi32> to vector<256x128xi32>
      %gt3A_142 = vector.broadcast %get3A_2 : vector<256x1xi32> to vector<256x128xi32>
      %gt3A_143 = arith.cmpi sgt, %gt3A_141, %gt3A_142 : vector<256x128xi32>
      %convert_element_type3A_144 = arith.extui %gt3A_143 : vector<256x128xi1> to vector<256x128xi32>
      %add3A_145 = arith.addi %while3A_137, %convert_element_type3A_144 : vector<256x128xi32>
      scf.yield %add3A_145 : vector<256x128xi32>
    }
    %iota3A = tpu.iota {dimensions = array<i32: 1>} : vector<256x128xi32>
    %iota3A_98 = tpu.iota {dimensions = array<i32: 0>} : vector<256x128xi32>
    %add3A_99 = arith.constant 0 : i32
    %add3A_100 = arith.addi %mul3A_4, %add3A_99 : i32
    %get3A_101 = arith.index_cast %add3A_100 : i32 to index
    %get3A_102 = arith.constant 0 : index
    %get3A_103 = vector.load %arg2[%get3A_101, %get3A_102] : memref<80x128xi32, #tpu.memory_space<vmem>>, vector<1x128xi32>
    %gt3A = vector.broadcast %get3A_103 : vector<1x128xi32> to vector<256x128xi32>
    %gt3A_104 = vector.broadcast %get3A_2 : vector<256x1xi32> to vector<256x128xi32>
    %gt3A_105 = arith.cmpi sgt, %gt3A, %gt3A_104 : vector<256x128xi32>
    %eq3A = vector.broadcast %get3A_103 : vector<1x128xi32> to vector<256x128xi32>
    %eq3A_106 = vector.broadcast %get3A_2 : vector<256x1xi32> to vector<256x128xi32>
    %eq3A_107 = arith.cmpi eq, %eq3A, %eq3A_106 : vector<256x128xi32>
    %add3A_108 = arith.constant 0 : i32
    %add3A_109 = vector.broadcast %add3A_108 : i32 to vector<256x128xi32>
    %add3A_110 = arith.addi %iota3A, %add3A_109 : vector<256x128xi32>
    %lt3A = arith.cmpi slt, %add3A_110, %iota3A_98 : vector<256x128xi32>
    %and3A_111 = arith.andi %eq3A_107, %lt3A : vector<256x128xi1>
    %or3A = arith.ori %gt3A_105, %and3A_111 : vector<256x128xi1>
    %convert_element_type3A = arith.extui %or3A : vector<256x128xi1> to vector<256x128xi32>
    %add3A_112 = arith.addi %while3A_97, %convert_element_type3A : vector<256x128xi32>
    %add3A_113 = arith.constant 1 : i32
    %add3A_114 = arith.addi %mul3A_4, %add3A_113 : i32
    %get3A_115 = arith.index_cast %add3A_114 : i32 to index
    %get3A_116 = arith.constant 0 : index
    %get3A_117 = vector.load %arg2[%get3A_115, %get3A_116] : memref<80x128xi32, #tpu.memory_space<vmem>>, vector<1x128xi32>
    %gt3A_118 = vector.broadcast %get3A_117 : vector<1x128xi32> to vector<256x128xi32>
    %gt3A_119 = vector.broadcast %get3A_2 : vector<256x1xi32> to vector<256x128xi32>
    %gt3A_120 = arith.cmpi sgt, %gt3A_118, %gt3A_119 : vector<256x128xi32>
    %eq3A_121 = vector.broadcast %get3A_117 : vector<1x128xi32> to vector<256x128xi32>
    %eq3A_122 = vector.broadcast %get3A_2 : vector<256x1xi32> to vector<256x128xi32>
    %eq3A_123 = arith.cmpi eq, %eq3A_121, %eq3A_122 : vector<256x128xi32>
    %add3A_124 = arith.constant 128 : i32
    %add3A_125 = vector.broadcast %add3A_124 : i32 to vector<256x128xi32>
    %add3A_126 = arith.addi %iota3A, %add3A_125 : vector<256x128xi32>
    %lt3A_127 = arith.cmpi slt, %add3A_126, %iota3A_98 : vector<256x128xi32>
    %and3A_128 = arith.andi %eq3A_123, %lt3A_127 : vector<256x128xi1>
    %or3A_129 = arith.ori %gt3A_120, %and3A_128 : vector<256x128xi1>
    %convert_element_type3A_130 = arith.extui %or3A_129 : vector<256x128xi1> to vector<256x128xi32>
    %add3A_131 = arith.addi %add3A_112, %convert_element_type3A_130 : vector<256x128xi32>
    %reduce_sum3A = arith.constant dense<0> : vector<256xi32>
    %reduce_sum3A_132 = vector.multi_reduction <add>, %add3A_131, %reduce_sum3A [1] : vector<256x128xi32> to vector<256xi32>
    %broadcast_in_dim3A_133 = vector.shape_cast %reduce_sum3A_132 : vector<256xi32> to vector<256x1xi32>
    %swap3A = arith.constant 0 : index
    %swap3A_134 = arith.constant 0 : index
    %swap3A_135 = vector.load %arg3[%swap3A, %swap3A_134] : memref<256x1xi32, #tpu.memory_space<vmem>>, vector<256x1xi32>
    tpu.vector_store %arg3[%swap3A, %swap3A_134], %broadcast_in_dim3A_133 {strides = array<i32>} : memref<256x1xi32, #tpu.memory_space<vmem>>, vector<256x1xi32>,
    return
  }
  func.func @transform_0(%arg0: i32) -> (i32, i32) {
    %c0_i32 = arith.constant 0 : i32
    %c0_i32_0 = arith.constant 0 : i32
    %c0_i32_1 = arith.constant 0 : i32
    return %c0_i32, %c0_i32_0 : i32, i32
  }
  func.func @transform_1(%arg0: i32) -> (i32, i32) {
    %c0_i32 = arith.constant 0 : i32
    %c0_i32_0 = arith.constant 0 : i32
    %c0_i32_1 = arith.constant 0 : i32
    return %c0_i32, %c0_i32_0 : i32, i32
  }
  func.func @transform_2(%arg0: i32) -> (i32, i32) {
    %c0_i32 = arith.constant 0 : i32
    %c0_i32_0 = arith.constant 0 : i32
    return %arg0, %c0_i32 : i32, i32
  }
}

</mosaic_0001>

<sc_bundles>
// kernel: kernel.5.cloned.1.call-start
scs
__scs_entry_jumppad:
0x0: {  	(pc) =	sbr.rel $0x88, $3  }
0x1: {  	(tag) =	ssettag $0x0;
	lr =	simm.s32 $0x1  }
0x2: {  	[smem:$0x3F9D] =	sst lr;
	_ =	strace $0xD0000000  }
0x3: {  	_ = 	snop  }
0x4: {  	_ = 	snop  }
0x5: {  	_ = 	snop  }
0x6: {  	_ = 	snop  }
0x7: {  	_ = 	snop  }
__scs_overlays_trampoline_lowered:
0x8: {  	[smem:$0x3FAC] =	sst s0  }
0x9: {  	[smem:$0x3FAD] =	sst s1  }
0xa: {  	[smem:$0x3FAE] =	sst s2  }
0xb: {  	[smem:$0x3FAF] =	sst s3  }
0xc: {  	[smem:$0x3FB0] =	sst s4  }
0xd: {  	[smem:$0x3FB1] =	sst s5  }
0xe: {  	[smem:$0x3FB2] =	sst s6  }
0xf: {  	[smem:$0x3FB3] =	sst s7  }
0x10: {  	[smem:$0x3FB4] =	sst s8  }
0x11: {  	[smem:$0x3FB5] =	sst s9;
	s0 =	simm.s32 @!p0 $0x0  }
0x12: {  	s1 =	sld [smem:$0x3F9B];
	s0 =	simm.s32 @p0 $0x1  }
0x13: {  	[smem:$0x3FB6] =	sst s0;
	s0 =	simm.s32 @!p1 $0x0  }
0x14: {  	s2 =	sld [smem:$0x3F9A];
	s0 =	simm.s32 @p1 $0x1  }
0x15: {  	[smem:$0x3FB7] =	sst s0;
	s0 =	simm.s32 @!p2 $0x0  }
0x16: {  	s3 =	sld [smem:$0x3FDB];
	s0 =	simm.s32 @p2 $0x1  }
0x17: {  	s4 =	simm.s32 $0x1BF5;
	[smem:$0x3FB9] =	sst s0  }
0x18: {  	s0 =	sld [smem:$0x3F9C];
	_ =	swait.ge [sflag:s4], $0x0  }
0x19: {  	s7 =	sld [smem:$0x3F9D]  }
0x1a: {  	s8 =	sadd.s32 $0xFFFFE003, lr  }
0x1b: {  	s9 =	sadd.s32 $0xFFFFFEF7, lr;
	s5 =	simm.s32 $0xFFFFFFFF;
	p2 =	slt.u32 s8, $0xFFFFF086  }
0x1c: {  	p1 =	slt.u32 s9, $0xF7A;
	s5 =	simm.s32 @!p2 $0x0  }
0x1d: {  	s5 =	simm.s32 @p1 $0x1;
	p0 =	seq.s32 s7, s2  }
0x1e: {  	s7 =	smul.u32 @!p0 $0xF7A, s2;
	p2 =	seq.s32 @!p0 s5, $0x0  }
0x1f: {  	s9 =	smul.u32 $0xF7A, s1;
	s8 =	simm.s32 @!p0 $0x1BF5;
	p2 =	por !p2, p0  }
0x20: {  	[sflag:s8] =	ssyncset.s32 @!p0 $0xFFFFF086;
	s6 =	sadd.s32 @!p0 s3, s7;
	s7 =	simm.s32 @!p0 $0x108  }
0x21: {  	s3 =	sadd.s32 s3, s9;
	s6 =	sadd.s32 @!p0 $0x88, s6;
	s7 =	simm.s32 @p2 $0x1082  }
0x22: {  	[simem:s7], [sflag:s8] =	dma.local @!p0 [hbm:s6], $0xF7A  }
0x23: {  	s9 =	sor.u32 $0xD0000000, s2;
	s6 =	simm.s32 $0x108;
	_ =	swait.ge @!p0 [sflag:s8], $0x0  }
0x24: {  	s3 =	sadd.s32 $0x88, s3;
	s6 =	simm.s32 @!p1 $0x1082;
	[sflag:s4] =	ssyncset.s32 $0xFFFFF086  }
0x25: {  	[simem:s6], [sflag:s4] =	dma.local [hbm:s3], $0xF7A  }
0x26: {  	[smem:$0x3F9D] =	sst s1;
	(tag) =	ssettag s2;
	_ =	strace s9  }
0x27: {  	s1 =	sld [smem:$0x3FAD]  }
0x28: {  	s2 =	sld [smem:$0x3FAE]  }
0x29: {  	s4 =	sld [smem:$0x3FB0]  }
0x2a: {  	p0 =	seq.s32 s5, $0x0;
	s5 =	sld [smem:$0x3FB1]  }
0x2b: {  	s6 =	sld [smem:$0x3FB2]  }
0x2c: {  	s7 =	sld [smem:$0x3FB3]  }
0x2d: {  	s3 =	simm.s32 $0x108;
	s8 =	sld [smem:$0x3FB4]  }
0x2e: {  	s3 =	simm.s32 @!p0 $0x1082;
	s9 =	sld [smem:$0x3FB5]  }
0x2f: {  	lr =	sadd.s32 s0, s3;
	s0 =	sld [smem:$0x3FAC]  }
0x30: {  	s3 =	sld [smem:$0x3FAF]  }
0x31: {  	[smem:$0x3FB8] =	sst s10  }
0x32: {  	s10 =	sld [smem:$0x3FB6];
	_ =	sdelay $0x3  }
0x33: {  	p0 =	seq.s32 s10, $0x1;
	s10 =	sld [smem:$0x3FB8];
	_ =	sdelay $0x3  }
0x34: {  	[smem:$0x3FB8] =	sst s10  }
0x35: {  	s10 =	sld [smem:$0x3FB7];
	_ =	sdelay $0x3  }
0x36: {  	p1 =	seq.s32 s10, $0x1;
	s10 =	sld [smem:$0x3FB8];
	_ =	sdelay $0x3  }
0x37: {  	[smem:$0x3FB8] =	sst s10  }
0x38: {  	s10 =	sld [smem:$0x3FB9]  }
0x39: {  	_ = 	snop;
	(pc) =	sbr.ind lr, $3  }
0x3a: {  	_ = 	snop  }
0x3b: {  	_ = 	snop  }
0x3c: {  	p2 =	seq.s32 s10, $0x1;
	s10 =	sld [smem:$0x3FB8]  }
0x3d: {  	_ =	shalt  }
0x3e: {  	_ =	shalt  }
0x3f: {  	_ =	shalt  }
0x40: {  	_ =	shalt  }
0x41: {  	_ =	shalt  }
0x42: {  	_ =	shalt  }
0x43: {  	_ =	shalt  }
0x44: {  	_ =	shalt  }
0x45: {  	_ =	shalt  }
0x46: {  	_ =	shalt  }
0x47: {  	_ =	shalt  }
0x48: {  	_ =	shalt  }
0x49: {  	_ =	shalt  }
0x4a: {  	_ =	shalt  }
0x4b: {  	_ =	shalt  }
0x4c: {  	_ =	shalt  }
0x4d: {  	_ =	shalt  }
0x4e: {  	_ =	shalt  }
0x4f: {  	_ =	shalt  }
0x50: {  	_ =	shalt  }
0x51: {  	_ =	shalt  }
0x52: {  	_ =	shalt  }
0x53: {  	_ =	shalt  }
0x54: {  	_ =	shalt  }
0x55: {  	_ =	shalt  }
0x56: {  	_ =	shalt  }
0x57: {  	_ =	shalt  }
0x58: {  	_ =	shalt  }
0x59: {  	_ =	shalt  }
0x5a: {  	_ =	shalt  }
0x5b: {  	_ =	shalt  }
0x5c: {  	_ =	shalt  }
0x5d: {  	_ =	shalt  }
0x5e: {  	_ =	shalt  }
0x5f: {  	_ =	shalt  }
0x60: {  	_ =	shalt  }
0x61: {  	_ =	shalt  }
0x62: {  	_ =	shalt  }
0x63: {  	_ =	shalt  }
0x64: {  	_ =	shalt  }
0x65: {  	_ =	shalt  }
0x66: {  	_ =	shalt  }
0x67: {  	_ =	shalt  }
0x68: {  	_ =	shalt  }
0x69: {  	_ =	shalt  }
0x6a: {  	_ =	shalt  }
0x6b: {  	_ =	shalt  }
0x6c: {  	_ =	shalt  }
0x6d: {  	_ =	shalt  }
0x6e: {  	_ =	shalt  }
0x6f: {  	_ =	shalt  }
0x70: {  	_ =	shalt  }
0x71: {  	_ =	shalt  }
0x72: {  	_ =	shalt  }
0x73: {  	_ =	shalt  }
0x74: {  	_ =	shalt  }
0x75: {  	_ =	shalt  }
0x76: {  	_ =	shalt  }
0x77: {  	_ =	shalt  }
0x78: {  	_ =	shalt  }
0x79: {  	_ =	shalt  }
0x7a: {  	_ =	shalt  }
0x7b: {  	_ =	shalt  }
0x7c: {  	_ =	shalt  }
0x7d: {  	_ =	shalt  }
0x7e: {  	_ =	shalt  }
0x7f: {  	_ =	shalt  }
0x80: {  	_ =	shalt  }
0x81: {  	_ =	shalt  }
0x82: {  	_ =	shalt  }
0x83: {  	_ =	shalt  }
0x84: {  	_ =	shalt  }
0x85: {  	_ =	shalt  }
0x86: {  	_ =	shalt  }
0x87: {  	_ =	shalt  }
.Lfunc_end0:
.L_simem_size_0:
called_computation_lowered:
.L_overlay_start_0:
0x88: {  	s2 =	sld [smem:$0x3FD9]  }
0x89: {  	s3 =	sld [smem:$0x3FFE];
	_ =	sdelay $0x1  }
0x8a: {  	s1 =	srdreg.scid  }
0x8b: {  	s0 =	sand.u32 $0x1, s1  }
0x8c: {  	s14 =	sshll.u32 s0, $0xA;
	s2 =	sadd.s32 s3, s2  }
0x8d: {  	s2 =	sadd.s32 s2, s14  }
0x8e: {  	[smem:$0x3FC4] =	sst s2  }
0x8f: {  	_ = 	snop  }
0x90: {  	s2 =	sld [smem:$0x3FD0];
	_ =	sdelay $0x2  }
0x91: {  	s15 =	simm.s32 $0xA;
	s4 =	simm.s32 $0x10  }
0x92: {  	[smem:s4], [sflag:s15] =	dma.local [hbm:s2], $0x1  }
0x93: {  	_ =	swait.eq [sflag:s15], $0x1  }
0x94: {  	s16 =	sld [smem:$0x10];
	[sflag:s15] =	ssyncset.done $0x0  }
0x95: {  	s17 =	sld [smem:$0x11];
	[sflag:s15] =	ssyncadd.s32 $0xFFFFFFFF  }
0x96: {  	s18 =	sld [smem:$0x13];
	(tm) =	ssettm $0x1  }
0x97: {  	s5 =	sld [smem:$0x3FFB];
	_ =	sdelay $0x3  }
0x98: {  	_ =	strace s5  }
0x99: {  	s5 =	sld [smem:$0x3FFC];
	_ =	sdelay $0x3  }
0x9a: {  	_ =	strace s5  }
0x9b: {  	s5 =	sld [smem:$0x3FFD];
	_ =	sdelay $0x3  }
0x9c: {  	_ =	strace s5  }
0x9d: {  	_ =	strace $0x8FFFFFFF  }
0x9e: {  	s19 =	sld [smem:$0x3FDB];
	_ =	sdelay $0x1  }
0x9f: {  	s6 =	simm.s32 $_scs_section_size  }
0xa0: {  	s7 =	simm.s32 $_size__tile_overlayer_lowered;
	s8 =	simm.s32 $_tile_overlayer_lowered  }
0xa1: {  	s22 =	simm.s32 $0x1BFF;
	s21 =	sshll.u32 s8, $0x1;
	s5 =	sadd.s32 s6, s19  }
0xa2: {  	s9 =	simm.s32 $0x0;
	s20 =	sshll.u32 s7, $0x1;
	s7 =	sadd.s32 s21, s5  }
0xa3: {  	[timem:s9], [sflag:s22] =	dma.local [hbm:s7], s20  }
0xa4: {  	_ =	swait.ge [sflag:s22], s20  }
0xa5: {  	s6 =	ssub.s32 $0x0, s20;
	[sflag:s22] =	ssyncset.done $0x0  }
0xa6: {  	[sflag:s22] =	ssyncadd.s32 s6;
	_ =	sdelay $0x1  }
0xa7: {  	s23 =	simm.s32 $0x1B8B  }
0xa8: {  	_ =	swait.ge [sflag:s23], $0x1  }
0xa9: {  	[sflag:s23] =	ssyncset.done $0x0  }
0xaa: {  	s25 =	simm.s32 $0x1B8E;
	s24 =	sld [smem:$0x3FFE];
	[sflag:s23] =	ssyncadd.s32 $0xFFFFFFFF  }
0xab: {  	s26 =	simm.s32 $execute0_lowered;
	[smem:$0x3FD2] =	sst s25  }
0xac: {  	s7 =	sshll.u32 s26, $0x1;
	_ =	strace $0x80000046;
	[dreg:$0x1] =	wrdreg $0xFFFFFFFF  }
0xad: {  	s28 =	simm.s32 $_size_execute0_lowered;
	s5 =	sadd.s32 s5, s7;
	[dreg:$0x0] =	wrdreg $0x0  }
0xae: {  	s7 =	sshll.u32 s28, $0x1;
	[dreg:$0x2] =	wrdreg s5  }
0xaf: {  	[dreg:$0x3] =	wrdreg s7  }
0xb0: {  	[dreg:$0x4] =	wrdreg $0xC0  }
0xb1: {  	_ =	task [dreg:s9], $0x5FFFF  }
0xb2: {  	[dreg:$0x1] =	wrdreg $0xFFFFFFFF  }
0xb3: {  	[dreg:$0x0] =	wrdreg $0x60  }
0xb4: {  	[dreg:$0x2] =	wrdreg s16  }
0xb5: {  	[dreg:$0x3] =	wrdreg s24  }
0xb6: {  	[dreg:$0x4] =	wrdreg s17  }
0xb7: {  	[dreg:$0x5] =	wrdreg s18  }
0xb8: {  	[dreg:$0x6] =	wrdreg $0x9  }
0xb9: {  	_ =	task.clear_ibuf [dreg:s9], $0x7FFFF;
	_ =	strace $0x90000046  }
0xba: {  	s29 =	simm.s32 $0x9;
	_ =	strace $0x80000048  }
0xbb: {  	_ =	swait.ge [sflag:s29], $0x1  }
0xbc: {  	[sflag:s29] =	ssyncadd.s32 $0xFFFFFFFF  }
0xbd: {  	_ =	strace $0x90000048  }
0xbe: {  	_ =	sfence  }
0xbf: {  	s30 =	sld [smem:$0x0];
	_ =	sdelay $0x2  }
0xc0: {  	s31 =	sshll.u32 s1, $0xD;
	s1 =	sshrl.u32 s1, $0x2  }
0xc1: {  	s3 =	sand.u32 $0x4000, s31;
	s1 =	sadd.s32 s1, s30  }
0xc2: {  	s0 =	sor.u32 s3, s0;
	s1 =	sshll.u32 s1, $0x11  }
0xc3: {  	s0 =	sor.u32 s1, s0  }
0xc4: {  	s0 =	sadd.s32 $0x8F2B, s0  }
0xc5: {  	[sflag:s0] =	ssyncadd.remote.s32 $0x1  }
0xc6: {  	_ =	sfence.sel $0xFFFF  }
0xc7: {  	[dreg:$0x0] =	wrdreg $0xFFFFFFFF;
	(pc) =	sbr.abs _section_cstart, $3  }
0xc8: {  	[dreg:$0x1] =	wrdreg $0xFFFFFFFF  }
0xc9: {  	_ =	task.clear_ibuf [dreg:s9], $0x2FFFF;
	_ =	strace $0x9FFFFFFF  }
0xca: {  	(tm) =	ssettm $0x7FFFFFFF  }
0xcb: {  	_ =	shalt  }
tec
execute0_lowered:
.L_overlay_start_1:
0x0: {  	(tag) =	ssettag $0x1  }
0x1: {  	s0 =	rddreg [dreg:$0x0]  }
0x2: {  	s1 =	srdreg.scid;
	s3 =	stileid.u32  }
0x3: {  	s9 =	rddreg [dreg:$0x1];
	s1 =	sand.u32 $0x1, s1;
	s4 =	sshll.u32 s3, $0x1  }
0x4: {  	s2 =	rddreg [dreg:$0x2];
	s31 =	simm.s32 $0x4;
	s6 =	sor.u32 s1, s4  }
0x5: {  	s3 =	rddreg [dreg:$0x3];
	s4 =	simm.s32 $0x0;
	s5 =	smul.u32 $0x1400, s6  }
0x6: {  	s1 =	ssub.s32 $0x2, s1;
	[smem:$0x7FF] =	sst s4;
	s7 =	smul.u32 $0x9C4, s6  }
0x7: {  	s10 =	sshrl.u32 s1, $0x1;
	s11 =	smul.u32 $0x140, s6;
	s12 =	sshll.u32 s6, $0x7  }
0x8: {  	_ =	strace $0x80000047;
	s1 =	ssub.s32 s1, s10;
	s8 =	sadd.s32 s5, s9  }
0x9: {  	s5 =	sadd.s32 $0x28600, s9;
	s9 =	sadd.s32 s7, s9;
	s6 =	sadd.s32 s2, s7  }
0xa: {  	s7 =	sadd.s32 s0, s12;
	s2 =	sor.u32 $0x10, s11;
	s24 =	sor.u32 $0x20, s11  }
0xb: {  	s16 =	sor.u32 $0x30, s11;
	s17 =	sadd.s32 $0x40, s11;
	s18 =	sadd.s32 $0x50, s11  }
0xc: {  	s19 =	sadd.s32 $0x60, s11;
	s20 =	sadd.s32 $0x70, s11;
	s21 =	sadd.s32 $0x80, s11  }
0xd: {  	s22 =	sadd.s32 $0x90, s11;
	s23 =	sadd.s32 $0xA0, s11;
	s25 =	sadd.s32 $0xB0, s11  }
0xe: {  	s26 =	sadd.s32 $0xC0, s11;
	s28 =	sadd.s32 $0xD0, s11;
	s29 =	sadd.s32 $0xE0, s11  }
0xf: {  	s10 =	smax.u32 s1, $0x1;
	s1 =	sadd.s32 $0xF0, s11;
	s30 =	sadd.s32 $0x100, s11  }
0x10: {  	s13 =	sadd.s32 $0x110, s11;
	s14 =	sadd.s32 $0x120, s11;
	s15 =	sadd.s32 $0x130, s11  }
0x11: {  	v19 =	vlaneseq.u32;
	s12 =	simm.s32 $0xA800;
	s0 =	simm.s32 $0x2;
	[dreg:$0x5] =	wrdreg s13  }
0x12: {  	v0 =	vor.u32 s11, v19;
	s8 =	sadd.s32 $0x600, s8;
	s9 =	sadd.s32 $0x50600, s9;
	[dreg:$0x6] =	wrdreg s14;
	v1 =	vor.u32 s2, v19  }
0x13: {  	[dreg:$0x7] =	wrdreg s15;
	s13 =	simm.s32 $0x400;
	s14 =	simm.s32 $0x3;
	v2 =	vor.u32 s24, v19;
	v3 =	vor.u32 s16, v19;
	v4 =	vor.u32 s17, v19  }
0x14: {  	s15 =	simm.s32 $0x40;
	s17 =	simm.s32 $0x80;
	v5 =	vor.u32 s18, v19;
	v6 =	vor.u32 s19, v19;
	v7 =	vor.u32 s20, v19;
	s20 =	simm.s32 $0x100  }
0x15: {  	v8 =	vor.u32 s21, v19;
	v9 =	vor.u32 s22, v19;
	v10 =	vor.u32 s23, v19;
	s23 =	simm.s32 $0x180;
	s24 =	simm.s32 $0x6400;
	s19 =	rddreg [dreg:$0x5]  }
0x16: {  	v11 =	vor.u32 s25, v19;
	v12 =	vor.u32 s26, v19;
	v13 =	vor.u32 s28, v19;
	s25 =	simm.s32 $0xA580;
	s26 =	simm.s32 $0x200;
	s21 =	rddreg [dreg:$0x6]  }
0x17: {  	s28 =	simm.s32 $0x8400;
	v14 =	vor.u32 s29, v19;
	v15 =	vor.u32 s1, v19;
	v16 =	vor.u32 s30, v19;
	s29 =	simm.s32 $0xA600;
	s22 =	rddreg [dreg:$0x7]  }
0x18: {  	s30 =	simm.s32 $0x11E80;
	s2 =	simm.s32 $0x1;
	s1 =	simm.s32 $0x0;
	v17 =	vor.u32 s19, v19;
	v18 =	vor.u32 s21, v19;
	v19 =	vor.u32 s22, v19  }
.LBB2_1:
0x19: {  	s11 =	simm.s32 $0xD000  }
0x1a: {  	[tilespmem:s11], [sflag:$0x3] =	stream.linear.gather [hbm4b:s6+s4], $0x4E20, $0x38;
	[tilespmem:$0x16D00] =	vst v63  }
0x1b: {  	s21 =	rddreg [dreg:$0x1]  }
0x1c: {  	[tilespmem:s12], [sflag:$0x3] =	stream.linear.gather [hbm4b:s21+s4], $0x2800, $0x38;
	[tilespmem:$0x16D00] =	vst v63  }
0x1d: {  	_ = 	snop  }
0x1e: {  	[tilespmem:s4], [sflag:$0x3] =	stream.linear.gather [hbm4b:s7+s4], $0x280, $0x38;
	[tilespmem:$0x16D00] =	vst v63  }
0x1f: {  	_ = 	snop  }
0x20: {  	[tilespmem:s13], [sflag:$0x3] =	stream.linear.gather [hbm4b:s8+s4], $0xA000, $0x38;
	[tilespmem:$0x16D00] =	vst v63  }
0x21: {  	_ =	swait.ge [sflag:s14], $0x4E20  }
0x22: {  	[sflag:s14] =	ssyncset.done $0x0  }
0x23: {  	[sflag:s14] =	ssyncadd.s32 $0xFFFFB1E0  }
0x24: {  	_ =	swait.ge [sflag:s14], $0x2800  }
0x25: {  	[sflag:s14] =	ssyncset.done $0x0  }
0x26: {  	[sflag:s14] =	ssyncadd.s32 $0xFFFFD800  }
0x27: {  	_ =	swait.ge [sflag:s14], $0x280  }
0x28: {  	[sflag:s14] =	ssyncset.done $0x0  }
0x29: {  	[sflag:s14] =	ssyncadd.s32 $0xFFFFFD80  }
0x2a: {  	_ =	swait.ge [sflag:s14], $0xA000  }
0x2b: {  	[sflag:s14] =	ssyncset.done $0x0  }
0x2c: {  	[sflag:s14] =	ssyncadd.s32 $0xFFFF6000  }
0x2d: {  	[tilespmem:$0xA400] =	vst v0  }
0x2e: {  	[tilespmem:$0xA410] =	vst v1  }
0x2f: {  	[tilespmem:$0xA420] =	vst v2  }
0x30: {  	[tilespmem:$0xA430] =	vst v3  }
0x31: {  	[tilespmem:$0xA480] =	vst v4  }
0x32: {  	[tilespmem:$0xA490] =	vst v5  }
0x33: {  	[tilespmem:$0xA4A0] =	vst v6  }
0x34: {  	[tilespmem:$0xA4B0] =	vst v7  }
0x35: {  	[tilespmem:$0xA500] =	vst v8  }
0x36: {  	[tilespmem:$0xA510] =	vst v9  }
0x37: {  	[tilespmem:$0xA520] =	vst v10  }
0x38: {  	[tilespmem:$0xA530] =	vst v11  }
0x39: {  	[tilespmem:$0xA580] =	vst v12  }
0x3a: {  	[tilespmem:$0xA590] =	vst v13  }
0x3b: {  	[tilespmem:$0xA5A0] =	vst v14  }
0x3c: {  	[tilespmem:$0xA5B0] =	vst v15  }
0x3d: {  	[tilespmem:$0xA600] =	vst v16  }
0x3e: {  	[tilespmem:$0xA610] =	vst v17  }
0x3f: {  	[tilespmem:$0xA620] =	vst v18  }
0x40: {  	[tilespmem:$0xA630] =	vst v19  }
0x41: {  	[hbm4b:s5+s15] =	stream.indirect.scatter [tilespmem:s13], [sflag:$0x1], $0x80, s4, s15, $0xb8;
	[tilespmem:$0x16D00] =	vst v63  }
0x42: {  	s22 =	simm.s32 $0xA400  }
0x43: {  	[hbm4b:s3+s15] =	stream.indirect.scatter [tilespmem:s22], [sflag:$0x2], $0x1, s4, s15, $0xb8;
	[tilespmem:$0x16D00] =	vst v63  }
0x44: {  	s16 =	simm.s32 $0x2400  }
0x45: {  	[hbm4b:s5+s15] =	stream.indirect.scatter [tilespmem:s16], [sflag:$0x1], $0x80, s17, s15, $0xb8;
	[tilespmem:$0x16D00] =	vst v63  }
0x46: {  	s18 =	simm.s32 $0xA480  }
0x47: {  	[hbm4b:s3+s15] =	stream.indirect.scatter [tilespmem:s18], [sflag:$0x2], $0x1, s17, s15, $0xb8;
	[tilespmem:$0x16D00] =	vst v63  }
0x48: {  	s19 =	simm.s32 $0x4400  }
0x49: {  	[hbm4b:s5+s15] =	stream.indirect.scatter [tilespmem:s19], [sflag:$0x1], $0x80, s20, s15, $0xb8;
	[tilespmem:$0x16D00] =	vst v63  }
0x4a: {  	s21 =	simm.s32 $0xA500  }
0x4b: {  	[hbm4b:s3+s15] =	stream.indirect.scatter [tilespmem:s21], [sflag:$0x2], $0x1, s20, s15, $0xb8;
	[tilespmem:$0x16D00] =	vst v63  }
0x4c: {  	_ = 	snop  }
0x4d: {  	[hbm4b:s5+s15] =	stream.indirect.scatter [tilespmem:s24], [sflag:$0x1], $0x80, s23, s15, $0xb8;
	[tilespmem:$0x16D00] =	vst v63  }
0x4e: {  	_ = 	snop  }
0x4f: {  	[hbm4b:s3+s15] =	stream.indirect.scatter [tilespmem:s25], [sflag:$0x2], $0x1, s23, s15, $0xb8;
	[tilespmem:$0x16D00] =	vst v63  }
0x50: {  	s22 =	simm.s32 $0x0  }
0x51: {  	[hbm4b:s5+s15] =	stream.indirect.scatter [tilespmem:s28], [sflag:$0x1], $0x80, s26, s15, $0xb8;
	[tilespmem:$0x16D00] =	vst v63  }
0x52: {  	s16 =	sand.u32 $0x7FC0, s22  }
0x53: {  	[hbm4b:s3+s15] =	stream.indirect.scatter [tilespmem:s29], [sflag:$0x2], $0x1, s26, s15, $0xb8;
	[tilespmem:$0x16D00] =	vst v63  }
0x54: {  	s21 =	simm.s32 $0x140;
	v22 =	vld [tilespmem:s16+$0xD100]  }
0x55: {  	s11 =	sand.u32 $0x7FC0, s21;
	v20 =	vld [tilespmem:s16+$0xD080]  }
0x56: {  	s19 =	simm.s32 $0xD0A0;
	v21 =	vld [tilespmem:s11+$0xD100]  }
0x57: {  	v23 =	vld [tilespmem:s19+$0x90]  }
0x58: {  	v24 =	vld [tilespmem:s19+$0xFFFFFF60]  }
0x59: {  	v25 =	vld [tilespmem:s19+$0xFFFFFF70]  }
0x5a: {  	v26 =	vld [tilespmem:s19+$0xFFFFFF80]  }
0x5b: {  	v27 =	vld [tilespmem:s19+$0xFFFFFF90]  }
0x5c: {  	v28 =	vld [tilespmem:s19+$0xFFFFFFA0]  }
0x5d: {  	v29 =	vld [tilespmem:s19+$0xFFFFFFB0]  }
0x5e: {  	v30 =	vld [tilespmem:s19+$0xFFFFFFC0]  }
0x5f: {  	v31 =	vld [tilespmem:s19+$0xFFFFFFD0]  }
0x60: {  	v32 =	vld [tilespmem:s19+$0xFFFFFFF0]  }
0x61: {  	v33 =	vld [tilespmem:s19+$0x0]  }
0x62: {  	v34 =	vld [tilespmem:s19+$0x10]  }
0x63: {  	v35 =	vld [tilespmem:s19+$0x20]  }
0x64: {  	v36 =	vld [tilespmem:s19+$0x30]  }
0x65: {  	v37 =	vld [tilespmem:s19+$0x40]  }
0x66: {  	v38 =	vld [tilespmem:s19+$0x50]  }
0x67: {  	v39 =	vld [tilespmem:s19+$0x70]  }
0x68: {  	v40 =	vld [tilespmem:s19+$0x80]  }
0x69: {  	v22 =	vld.idx.msk [tilespmem:v22+s12+$0x0], $0xffff  }
0x6a: {  	v23 =	vld.idx.msk [tilespmem:v23+s12+$0x0], $0xffff  }
0x6b: {  	v24 =	vld.idx.msk [tilespmem:v24+s12+$0x0], $0xffff  }
0x6c: {  	v25 =	vld.idx.msk [tilespmem:v25+s12+$0x0], $0xffff  }
0x6d: {  	v26 =	vld.idx.msk [tilespmem:v26+s12+$0x0], $0xffff  }
0x6e: {  	v27 =	vld.idx.msk [tilespmem:v27+s12+$0x0], $0xffff  }
0x6f: {  	s18 =	simm.s32 $0x11F20;
	v63 =	vld.idx.msk [tilespmem:v34+s12+$0x0], $0xffff;
	[tilespmem:s16+$0x11F80] =	vst v22  }
0x70: {  	v22 =	vld.idx.msk [tilespmem:v28+s12+$0x0], $0xffff;
	[tilespmem:s18+$0x90] =	vst v23  }
0x71: {  	v23 =	vld.idx.msk [tilespmem:v29+s12+$0x0], $0xffff;
	[tilespmem:s18+$0xFFFFFF60] =	vst v24  }
0x72: {  	v24 =	vld.idx.msk [tilespmem:v30+s12+$0x0], $0xffff;
	[tilespmem:s18+$0xFFFFFF70] =	vst v25  }
0x73: {  	v25 =	vld.idx.msk [tilespmem:v31+s12+$0x0], $0xffff;
	[tilespmem:s18+$0xFFFFFF80] =	vst v26  }
0x74: {  	v28 =	vld.idx.msk [tilespmem:v32+s12+$0x0], $0xffff;
	[tilespmem:s18+$0xFFFFFF90] =	vst v27  }
0x75: {  	v29 =	vld.idx.msk [tilespmem:v33+s12+$0x0], $0xffff;
	[tilespmem:s18+$0x10] =	vst v63  }
0x76: {  	v27 =	vld.idx.msk [tilespmem:v35+s12+$0x0], $0xffff;
	[tilespmem:s18+$0xFFFFFFA0] =	vst v22  }
0x77: {  	v26 =	vld.idx.msk [tilespmem:v36+s12+$0x0], $0xffff;
	[tilespmem:s18+$0xFFFFFFB0] =	vst v23  }
0x78: {  	[tilespmem:s18+$0xFFFFFFC0] =	vst v24;
	v24 =	vld.idx.msk [tilespmem:v37+s12+$0x0], $0xffff  }
0x79: {  	[tilespmem:s18+$0xFFFFFFD0] =	vst v25;
	v25 =	vld.idx.msk [tilespmem:v38+s12+$0x0], $0xffff  }
0x7a: {  	[tilespmem:s18+$0xFFFFFFF0] =	vst v28;
	v22 =	vld.idx.msk [tilespmem:v39+s12+$0x0], $0xffff  }
0x7b: {  	[tilespmem:s18+$0x0] =	vst v29;
	v23 =	vld.idx.msk [tilespmem:v40+s12+$0x0], $0xffff  }
.LBB2_2:
0x7c: {  	s21 =	sadd.s32 $0x140, s21;
	v28 =	vld [tilespmem:s11+$0xD080];
	[tilespmem:s18+$0x20] =	vst v27  }
0x7d: {  	s22 =	sand.u32 $0x7FC0, s21;
	v27 =	vld.idx.msk [tilespmem:v20+s12+$0x0], $0xffff;
	[tilespmem:s18+$0x30] =	vst v26  }
0x7e: {  	p0 =	slt.u32 s21, $0x4C40;
	v26 =	vld [tilespmem:s22+$0xD100];
	[tilespmem:s18+$0x40] =	vst v24  }
0x7f: {  	s19 =	sadd.s32 $0x140, s19;
	v24 =	vld.idx.msk [tilespmem:v21+s12+$0x0], $0xffff;
	[tilespmem:s18+$0x50] =	vst v25  }
0x80: {  	v25 =	vld [tilespmem:s19+$0x90];
	[tilespmem:s18+$0x70] =	vst v22  }
0x81: {  	v22 =	vld [tilespmem:s19+$0xFFFFFF60];
	[tilespmem:s18+$0x80] =	vst v23;
	v20 =	vmov v28  }
0x82: {  	v23 =	vld [tilespmem:s19+$0xFFFFFF70]  }
0x83: {  	v28 =	vld [tilespmem:s19+$0xFFFFFF80];
	[tilespmem:s16+$0x11F00] =	vst v27;
	v21 =	vmov v26;
	s16 =	smov.u32 s11;
	s11 =	smov.u32 s22  }
0x84: {  	v26 =	vld [tilespmem:s19+$0xFFFFFF90]  }
0x85: {  	v27 =	vld [tilespmem:s19+$0xFFFFFFA0]  }
0x86: {  	v29 =	vld [tilespmem:s19+$0xFFFFFFB0]  }
0x87: {  	v30 =	vld [tilespmem:s19+$0xFFFFFFC0]  }
0x88: {  	v25 =	vld.idx.msk [tilespmem:v25+s12+$0x0], $0xffff  }
0x89: {  	v31 =	vld [tilespmem:s19+$0xFFFFFFD0]  }
0x8a: {  	v32 =	vld [tilespmem:s19+$0xFFFFFFF0]  }
0x8b: {  	v33 =	vld [tilespmem:s19+$0x0]  }
0x8c: {  	v34 =	vld [tilespmem:s19+$0x10]  }
0x8d: {  	s18 =	sadd.s32 $0x140, s18;
	v35 =	vld [tilespmem:s19+$0x20];
	[tilespmem:s16+$0x11F80] =	vst v24  }
0x8e: {  	v24 =	vld [tilespmem:s19+$0x30];
	[tilespmem:s18+$0x90] =	vst v25  }
0x8f: {  	v25 =	vld [tilespmem:s19+$0x40]  }
0x90: {  	v36 =	vld [tilespmem:s19+$0x50]  }
0x91: {  	v37 =	vld [tilespmem:s19+$0x70]  }
0x92: {  	v38 =	vld [tilespmem:s19+$0x80]  }
0x93: {  	v22 =	vld.idx.msk [tilespmem:v22+s12+$0x0], $0xffff  }
0x94: {  	v23 =	vld.idx.msk [tilespmem:v23+s12+$0x0], $0xffff  }
0x95: {  	v28 =	vld.idx.msk [tilespmem:v28+s12+$0x0], $0xffff  }
0x96: {  	v26 =	vld.idx.msk [tilespmem:v26+s12+$0x0], $0xffff  }
0x97: {  	v27 =	vld.idx.msk [tilespmem:v27+s12+$0x0], $0xffff  }
0x98: {  	v29 =	vld.idx.msk [tilespmem:v29+s12+$0x0], $0xffff  }
0x99: {  	[tilespmem:s18+$0xFFFFFF60] =	vst v22;
	v22 =	vld.idx.msk [tilespmem:v30+s12+$0x0], $0xffff  }
0x9a: {  	[tilespmem:s18+$0xFFFFFF70] =	vst v23;
	v23 =	vld.idx.msk [tilespmem:v31+s12+$0x0], $0xffff  }
0x9b: {  	[tilespmem:s18+$0xFFFFFF80] =	vst v28;
	v28 =	vld.idx.msk [tilespmem:v32+s12+$0x0], $0xffff  }
0x9c: {  	[tilespmem:s18+$0xFFFFFF90] =	vst v26;
	v30 =	vld.idx.msk [tilespmem:v33+s12+$0x0], $0xffff  }
0x9d: {  	[tilespmem:s18+$0xFFFFFFA0] =	vst v27;
	v31 =	vld.idx.msk [tilespmem:v34+s12+$0x0], $0xffff  }
0x9e: {  	[tilespmem:s18+$0xFFFFFFB0] =	vst v29;
	v27 =	vld.idx.msk [tilespmem:v35+s12+$0x0], $0xffff  }
.Ltmp0:
0x9f: {  	[tilespmem:s18+$0xFFFFFFC0] =	vst v22;
	v26 =	vld.idx.msk [tilespmem:v24+s12+$0x0], $0xffff;
	(pc) =	sbr.rel @p0 .LBB2_2-.Ltmp0, $4  }
0xa0: {  	[tilespmem:s18+$0xFFFFFFD0] =	vst v23;
	v24 =	vld.idx.msk [tilespmem:v25+s12+$0x0], $0xffff  }
0xa1: {  	[tilespmem:s18+$0xFFFFFFF0] =	vst v28;
	v25 =	vld.idx.msk [tilespmem:v36+s12+$0x0], $0xffff  }
0xa2: {  	[tilespmem:s18+$0x0] =	vst v30;
	v22 =	vld.idx.msk [tilespmem:v37+s12+$0x0], $0xffff  }
0xa3: {  	[tilespmem:s18+$0x10] =	vst v31;
	v23 =	vld.idx.msk [tilespmem:v38+s12+$0x0], $0xffff  }
0xa4: {  	_ =	sdelay $0x2  }
0xa5: {  	v28 =	vld [tilespmem:s11+$0xD080]  }
0xa6: {  	v20 =	vld.idx.msk [tilespmem:v20+s12+$0x0], $0xffff  }
0xa7: {  	v21 =	vld.idx.msk [tilespmem:v21+s12+$0x0], $0xffff;
	s19 =	sadd.s32 $0x140, s19  }
0xa8: {  	v29 =	vld [tilespmem:s19+$0x90]  }
0xa9: {  	v30 =	vld [tilespmem:s19+$0xFFFFFF60]  }
0xaa: {  	v31 =	vld [tilespmem:s19+$0xFFFFFF70]  }
0xab: {  	v32 =	vld [tilespmem:s19+$0xFFFFFF80]  }
0xac: {  	v33 =	vld [tilespmem:s19+$0xFFFFFF90]  }
0xad: {  	v34 =	vld [tilespmem:s19+$0xFFFFFFA0]  }
0xae: {  	v35 =	vld [tilespmem:s19+$0xFFFFFFB0]  }
0xaf: {  	v36 =	vld [tilespmem:s19+$0xFFFFFFC0]  }
0xb0: {  	v37 =	vld [tilespmem:s19+$0xFFFFFFD0]  }
0xb1: {  	v38 =	vld [tilespmem:s19+$0xFFFFFFF0]  }
0xb2: {  	v39 =	vld [tilespmem:s19+$0x0]  }
0xb3: {  	v40 =	vld [tilespmem:s19+$0x10]  }
0xb4: {  	v41 =	vld [tilespmem:s19+$0x20]  }
0xb5: {  	v42 =	vld [tilespmem:s19+$0x30]  }
0xb6: {  	v45 =	vld [tilespmem:s19+$0x40]  }
0xb7: {  	[tilespmem:s18+$0x20] =	vst v27;
	v46 =	vld [tilespmem:s19+$0x50]  }
0xb8: {  	[tilespmem:s18+$0x30] =	vst v26;
	v47 =	vld [tilespmem:s19+$0x70]  }
0xb9: {  	[tilespmem:s18+$0x40] =	vst v24;
	v48 =	vld [tilespmem:s19+$0x80]  }
0xba: {  	[tilespmem:s18+$0x50] =	vst v25;
	v63 =	vld.idx.msk [tilespmem:v28+s12+$0x0], $0xffff  }
0xbb: {  	[tilespmem:s18+$0x70] =	vst v22;
	v29 =	vld.idx.msk [tilespmem:v29+s12+$0x0], $0xffff  }
0xbc: {  	[tilespmem:s18+$0x80] =	vst v23;
	v49 =	vld.idx.msk [tilespmem:v30+s12+$0x0], $0xffff  }
0xbd: {  	[tilespmem:s16+$0x11F00] =	vst v20;
	v50 =	vld.idx.msk [tilespmem:v31+s12+$0x0], $0xffff  }
0xbe: {  	[tilespmem:s11+$0x11F80] =	vst v21;
	v20 =	vld.idx.msk [tilespmem:v32+s12+$0x0], $0xffff  }
0xbf: {  	s22 =	sadd.s32 $0x140, s18;
	v51 =	vld.idx.msk [tilespmem:v33+s12+$0x0], $0xffff;
	[tilespmem:s11+$0x11F00] =	vst v63  }
0xc0: {  	v52 =	vld.idx.msk [tilespmem:v34+s12+$0x0], $0xffff;
	[tilespmem:s22+$0x90] =	vst v29  }
0xc1: {  	v53 =	vld.idx.msk [tilespmem:v35+s12+$0x0], $0xffff;
	[tilespmem:s22+$0xFFFFFF60] =	vst v49  }
0xc2: {  	v54 =	vld.idx.msk [tilespmem:v36+s12+$0x0], $0xffff;
	[tilespmem:s22+$0xFFFFFF70] =	vst v50  }
0xc3: {  	v55 =	vld.idx.msk [tilespmem:v37+s12+$0x0], $0xffff;
	[tilespmem:s22+$0xFFFFFF80] =	vst v20  }
0xc4: {  	v56 =	vld.idx.msk [tilespmem:v39+s12+$0x0], $0xffff;
	[tilespmem:s22+$0xFFFFFF90] =	vst v51  }
0xc5: {  	v57 =	vld.idx.msk [tilespmem:v40+s12+$0x0], $0xffff;
	[tilespmem:s22+$0xFFFFFFA0] =	vst v52  }
0xc6: {  	v58 =	vld.idx.msk [tilespmem:v41+s12+$0x0], $0xffff;
	[tilespmem:s22+$0xFFFFFFB0] =	vst v53  }
0xc7: {  	v20 =	vld.idx.msk [tilespmem:v38+s12+$0x0], $0xffff;
	[tilespmem:s22+$0xFFFFFFC0] =	vst v54  }
0xc8: {  	v59 =	vld.idx.msk [tilespmem:v42+s12+$0x0], $0xffff;
	[tilespmem:s22+$0xFFFFFFD0] =	vst v55  }
0xc9: {  	v60 =	vld.idx.msk [tilespmem:v45+s12+$0x0], $0xffff;
	[tilespmem:s22+$0x0] =	vst v56  }
0xca: {  	v61 =	vld.idx.msk [tilespmem:v47+s12+$0x0], $0xffff;
	[tilespmem:s22+$0x10] =	vst v57  }
0xcb: {  	v62 =	vld.idx.msk [tilespmem:v48+s12+$0x0], $0xffff;
	[tilespmem:s22+$0x20] =	vst v58  }
0xcc: {  	[tilespmem:s22+$0xFFFFFFF0] =	vst v20;
	v20 =	vld.idx.msk [tilespmem:v46+s12+$0x0], $0xffff  }
0xcd: {  	[tilespmem:s22+$0x30] =	vst v59  }
0xce: {  	[tilespmem:s22+$0x40] =	vst v60  }
0xcf: {  	[tilespmem:s22+$0x70] =	vst v61  }
0xd0: {  	[tilespmem:s22+$0x80] =	vst v62  }
0xd1: {  	s19 =	simm.s32 $0x11D80;
	s18 =	simm.s32 $0x16C00;
	s16 =	simm.s32 $0x4D70;
	[tilespmem:s22+$0x50] =	vst v20  }
.LBB2_4:
0xd2: {  	v20 =	vld [tilespmem:s19+$0x0];
	_ =	sdelay $0x6  }
0xd3: {  	s16 =	sadd.s32 $0x10, s16  }
0xd4: {  	p0 =	slt.u32 s16, $0x4E10;
	v20 =	vld.idx.msk [tilespmem:v20+s12+$0x0], $0xffff  }
.Ltmp1:
0xd5: {  	_ = 	snop;
	(pc) =	sbr.rel @p0 .LBB2_4-.Ltmp1, $2  }
0xd6: {  	_ =	sdelay $0x2  }
0xd7: {  	s19 =	sadd.s32 $0x10, s19;
	[tilespmem:s18+$0x0] =	vst v20;
	s18 =	sadd.s32 $0x10, s18  }
0xd8: {  	[hbm4b:s9+s4] =	stream.linear.scatter [tilespmem:s30], [sflag:$0x4], $0x4E20, $0x38;
	[tilespmem:$0x16D00] =	vst v63  }
0xd9: {  	_ =	swait.ge [sflag:s31], $0x4E20  }
0xda: {  	[sflag:s31] =	ssyncset.done $0x0  }
0xdb: {  	[sflag:s31] =	ssyncadd.s32 $0xFFFFB1E0  }
0xdc: {  	_ =	swait.ge [sflag:s2], $0x2000  }
0xdd: {  	[sflag:s2] =	ssyncset.done $0x0  }
0xde: {  	[sflag:s2] =	ssyncadd.s32 $0xFFFFE000  }
0xdf: {  	_ =	swait.ge [sflag:s0], $0x40  }
0xe0: {  	[sflag:s0] =	ssyncset.done $0x0  }
0xe1: {  	[sflag:s0] =	ssyncadd.s32 $0xFFFFFFC0  }
0xe2: {  	_ =	swait.ge [sflag:s2], $0x2000  }
0xe3: {  	[sflag:s2] =	ssyncset.done $0x0  }
0xe4: {  	[sflag:s2] =	ssyncadd.s32 $0xFFFFE000  }
0xe5: {  	_ =	swait.ge [sflag:s0], $0x40  }
0xe6: {  	[sflag:s0] =	ssyncset.done $0x0  }
0xe7: {  	[sflag:s0] =	ssyncadd.s32 $0xFFFFFFC0  }
0xe8: {  	_ =	swait.ge [sflag:s2], $0x2000  }
0xe9: {  	[sflag:s2] =	ssyncset.done $0x0  }
0xea: {  	[sflag:s2] =	ssyncadd.s32 $0xFFFFE000  }
0xeb: {  	_ =	swait.ge [sflag:s0], $0x40  }
0xec: {  	[sflag:s0] =	ssyncset.done $0x0  }
0xed: {  	[sflag:s0] =	ssyncadd.s32 $0xFFFFFFC0  }
0xee: {  	_ =	swait.ge [sflag:s2], $0x2000  }
0xef: {  	[sflag:s2] =	ssyncset.done $0x0  }
0xf0: {  	[sflag:s2] =	ssyncadd.s32 $0xFFFFE000  }
0xf1: {  	_ =	swait.ge [sflag:s0], $0x40  }
0xf2: {  	[sflag:s0] =	ssyncset.done $0x0  }
0xf3: {  	s1 =	sadd.s32 $0x1, s1;
	[sflag:s0] =	ssyncadd.s32 $0xFFFFFFC0  }
0xf4: {  	p0 =	sne.s32 s1, s10;
	_ =	swait.ge [sflag:s2], $0x2000  }
.Ltmp2:
0xf5: {  	[sflag:s2] =	ssyncset.done $0x0;
	(pc) =	sbr.rel @p0 .LBB2_1-.Ltmp2, $4  }
0xf6: {  	[sflag:s2] =	ssyncadd.s32 $0xFFFFE000  }
0xf7: {  	_ =	swait.ge [sflag:s0], $0x40  }
0xf8: {  	[sflag:s0] =	ssyncset.done $0x0  }
0xf9: {  	[sflag:s0] =	ssyncadd.s32 $0xFFFFFFC0  }
0xfa: {  	_ =	sfence.sel $0x180000  }
0xfb: {  	[bflag:$0x0] =	sbarrier.arrive $0xFFFF  }
0xfc: {  	_ =	strace $0x90000047  }
0xfd: {  	s0 =	stileid.u32;
	[bflag:$0x2] =	sbarrier.arrive $0xFFFF  }
0xfe: {  	p0 =	sne.s32 s0, $0x0;
	s0 =	rddreg [dreg:$0x4]  }
0xff: {  	s0 =	sadd.s32 @!p0 $0x100000, s0  }
0x100: {  	[sflag:s0] =	ssyncadd.tile.s32 @!p0 $0x1;
	_ =	shalt  }
.Lfunc_end2:
_tile_overlayer_lowered:
.L_overlay_start_2:
0x101: {  	(tag) =	ssettag $0x2  }
0x102: {  	s0 =	rddreg [dreg:$0x0];
	s2 =	stileid.u32  }
0x103: {  	s1 =	rddreg [dreg:$0x1];
	p0 =	sne.s32 s2, $0x0  }
0x104: {  	s3 =	rddreg [dreg:$0x2];
	[bflag:$0x3] =	sbarrier.arrive $0xFFFF;
	s2 =	simm.s32 @!p0 $0x1C04  }
0x105: {  	[timem:s3], [sflag:s2] =	dma.local @!p0 [hbm:s0], s1  }
0x106: {  	s0 =	simm.s32 @!p0 $0x4  }
0x107: {  	_ =	swait.ge @!p0 [sflag:s0], s1  }
0x108: {  	s1 =	ssub.s32 @!p0 $0x0, s1;
	[sflag:s0] =	ssyncset.done @!p0 $0x0  }
0x109: {  	[sflag:s0] =	ssyncadd.s32 @!p0 s1  }
0x10a: {  	[bflag:$0x3] =	sbarrier.arrive $0xFFFF  }
0x10b: {  	_ =	shalt  }

</sc_bundles>
